<compile_context>
chip_gen: v7x
topology: tpu7x:2x2x1
jax: 0.10.2.dev20260603
libtpu: 0.0.44.dev20260713+nightly
codegen_flags: <defaults>
</compile_context>

<pallas_src>
import functools

import jax
import jax.numpy as jnp
from jax import lax
from jax.experimental import pallas as pl
from jax.experimental.pallas import tpu as pltpu
from jax.experimental.pallas import tpu_sc as plsc

N = 10000
F = 128
NC = 2
NS = 16
NW = NC * NS
CHUNK = 128
NCHUNK = 80
HC = 40
EPT = NCHUNK * CHUNK
E_PAD = NW * EPT
TOT_CHUNKS = E_PAD // CHUNK
NROW = 10112
RPT = NROW // NS

_mesh = plsc.VectorSubcoreMesh(core_axis_name="c", subcore_axis_name="s")


@functools.partial(
    pl.kernel,
    out_type=jax.ShapeDtypeStruct((NC, NROW), jnp.float32),
    mesh=_mesh,
    scratch_types=[
        pltpu.VMEM((NCHUNK, CHUNK), jnp.int32),
        pltpu.VMEM((CHUNK,), jnp.float32),
        pltpu.VMEM_SHARED((NROW,), jnp.float32),
        pltpu.SemaphoreType.DMA,
    ],
)
def _deg_kernel(dst_hbm, zeros_hbm, ones_hbm, out_hbm, didx, ones_v, acc, sem):
    cid = lax.axis_index("c")
    tid = lax.axis_index("s")
    wid = tid * NC + cid

    @pl.when(tid == 0)
    def _zero():
        pltpu.sync_copy(zeros_hbm, acc)

    pltpu.sync_copy(ones_hbm, ones_v)
    pltpu.sync_copy(dst_hbm.at[pl.ds(wid * NCHUNK, NCHUNK)], didx)
    plsc.subcore_barrier()

    def body(i, carry):
        pltpu.sync_copy(ones_v, acc.at[didx.at[i]], add=True)
        return carry

    lax.fori_loop(0, NCHUNK, body, 0)
    plsc.subcore_barrier()

    @pl.when(tid == 0)
    def _out():
        pltpu.sync_copy(acc, out_hbm.at[cid])


@functools.partial(
    pl.kernel,
    out_type=jax.ShapeDtypeStruct((NC, NROW, F), jnp.float32),
    mesh=_mesh,
    scratch_types=[
        pltpu.VMEM((HC, CHUNK), jnp.int32),
        pltpu.VMEM((HC, CHUNK), jnp.int32),
        pltpu.VMEM((CHUNK, F), jnp.float32),
        pltpu.VMEM((CHUNK, F), jnp.float32),
        pltpu.VMEM_SHARED((NROW, F), jnp.float32),
        pltpu.SemaphoreType.DMA,
    ],
)
def _edge_kernel(g_hbm, src_hbm, dst_hbm, zrows_hbm, out_hbm,
                 sidx, didx, rows_a, rows_b, acc, sem):
    cid = lax.axis_index("c")
    tid = lax.axis_index("s")

    pltpu.sync_copy(zrows_hbm.at[pl.ds(tid * RPT, RPT)],
                    acc.at[pl.ds(tid * RPT, RPT)])
    plsc.subcore_barrier()

    def stage(h, carry):
        base = (tid * NC + cid) * NCHUNK + h * HC
        pltpu.sync_copy(src_hbm.at[pl.ds(base, HC)], sidx)
        pltpu.sync_copy(dst_hbm.at[pl.ds(base, HC)], didx)
        pltpu.async_copy(g_hbm.at[sidx.at[0]], rows_a, sem)

        def body(j, carry2):
            i = j * 2
            pltpu.async_copy(g_hbm.at[sidx.at[i + 1]], rows_b, sem)
            pltpu.make_async_copy(g_hbm.at[sidx.at[i]], rows_a, sem).wait()
            pltpu.sync_copy(rows_a, acc.at[didx.at[i]], add=True)

            @pl.when(j < HC // 2 - 1)
            def _prefetch():
                pltpu.async_copy(g_hbm.at[sidx.at[i + 2]], rows_a, sem)

            pltpu.make_async_copy(g_hbm.at[sidx.at[i + 1]], rows_b,
                                  sem).wait()
            pltpu.sync_copy(rows_b, acc.at[didx.at[i + 1]], add=True)
            return carry2

        lax.fori_loop(0, HC // 2, body, 0)
        return carry

    lax.fori_loop(0, NCHUNK // HC, stage, 0)
    plsc.subcore_barrier()

    pltpu.sync_copy(acc.at[pl.ds(tid * RPT, RPT)],
                    out_hbm.at[cid, pl.ds(tid * RPT, RPT)])


_R = 1000


def _stage1_body(x_ref, w_ref, d0_ref, d1_ref, g_ref, dinv_ref):
    deg = d0_ref[...] + d1_ref[...] + 1.0
    dv = lax.rsqrt(deg)
    dinv_ref[...] = dv
    g_ref[...] = dv * jnp.dot(x_ref[...], w_ref[...],
                              preferred_element_type=jnp.float32)


def _stage2_body(p0_ref, p1_ref, g_ref, dinv_ref, b_ref, w_ref, h_ref,
                 g2_ref):
    dv = dinv_ref[...]
    h = jnp.maximum(dv * (p0_ref[...] + p1_ref[...] + g_ref[...]) + b_ref[...],
                    0.0)
    h_ref[...] = h
    g2_ref[...] = dv * jnp.dot(h, w_ref[...], preferred_element_type=jnp.float32)


def _stage3_body(p0_ref, p1_ref, g_ref, dinv_ref, b_ref, h1_ref,
                 lw_ref, lb_ref, o_ref):
    dv = dinv_ref[...]
    h2 = jnp.maximum(dv * (p0_ref[...] + p1_ref[...] + g_ref[...]) + b_ref[...],
                     0.0)
    hm = jnp.maximum(h1_ref[...], h2)
    z = jnp.dot(hm, lw_ref[...], preferred_element_type=jnp.float32) + lb_ref[...]
    m = jnp.max(z, axis=1, keepdims=True)
    lse = jnp.log(jnp.sum(jnp.exp(z - m), axis=1, keepdims=True))
    o_ref[...] = z - m - lse


def _row_spec(cols):
    return pl.BlockSpec((_R, cols), lambda i: (i, 0))


def _full_spec(r, c):
    return pl.BlockSpec((r, c), lambda i: (0, 0))


def kernel(x, edge_index, W1, b1, W2, b2, lin_W, lin_b):
    src = edge_index[0].astype(jnp.int32)
    dst = edge_index[1].astype(jnp.int32)
    e = src.shape[0]
    pad = E_PAD - e
    src = jnp.concatenate([src, jnp.zeros((pad,), jnp.int32)])
    dst = jnp.concatenate([dst, jnp.full((pad,), N, jnp.int32)])
    src = src.reshape(TOT_CHUNKS, CHUNK)
    dst = dst.reshape(TOT_CHUNKS, CHUNK)

    zeros_vec = jnp.zeros((NROW,), jnp.float32)
    ones_chunk = jnp.ones((CHUNK,), jnp.float32)
    zrows = jnp.zeros((NROW, F), jnp.float32)

    degp = _deg_kernel(dst, zeros_vec, ones_chunk)
    deg0 = degp[0, :N].reshape(N, 1)
    deg1 = degp[1, :N].reshape(N, 1)

    grid = N // _R
    g1, dinv = pl.pallas_call(
        _stage1_body,
        grid=(grid,),
        in_specs=[_row_spec(F), _full_spec(F, F), _row_spec(1), _row_spec(1)],
        out_specs=[_row_spec(F), _row_spec(1)],
        out_shape=[jax.ShapeDtypeStruct((N, F), jnp.float32),
                   jax.ShapeDtypeStruct((N, 1), jnp.float32)],
    )(x, W1, deg0, deg1)

    p1 = _edge_kernel(g1, src, dst, zrows)[:, :N]

    h1, g2 = pl.pallas_call(
        _stage2_body,
        grid=(grid,),
        in_specs=[_row_spec(F), _row_spec(F), _row_spec(F), _row_spec(1),
                  _full_spec(1, F), _full_spec(F, F)],
        out_specs=[_row_spec(F), _row_spec(F)],
        out_shape=[jax.ShapeDtypeStruct((N, F), jnp.float32),
                   jax.ShapeDtypeStruct((N, F), jnp.float32)],
    )(p1[0], p1[1], g1, dinv, b1.reshape(1, F), W2)

    p2 = _edge_kernel(g2, src, dst, zrows)[:, :N]

    C = lin_W.shape[1]
    out = pl.pallas_call(
        _stage3_body,
        grid=(grid,),
        in_specs=[_row_spec(F), _row_spec(F), _row_spec(F), _row_spec(1),
                  _full_spec(1, F), _row_spec(F), _full_spec(F, C),
                  _full_spec(1, C)],
        out_specs=pl.BlockSpec((_R, C), lambda i: (i, 0)),
        out_shape=jax.ShapeDtypeStruct((N, C), jnp.float32),
    )(p2[0], p2[1], g2, dinv, b2.reshape(1, F), h1, lin_W,
      lin_b.reshape(1, C))

    return out

# --- scband reference (transcript-rebuilt; emitter-appended) ---
"""Pipeline reference for scband-jknet-40638980555142 (READ-ONLY COPY).

The authoritative reference and input builder live on the scoring server;
editing this copy changes nothing except your own understanding.
"""

import jax, jax.numpy as jnp
import numpy as np

N = 10000
E = 320000
F_IN = 128
H = 128
C = 40


def setup_inputs(seed: int = 0) -> dict:
    key = jax.random.key(seed)
    ks = jax.random.split(key, 9)
    x = jax.random.normal(ks[0], (N, F_IN), dtype=jnp.float32)
    edge_index = jax.random.randint(ks[1], (2, E), 0, N, dtype=jnp.int64)
    W1 = jax.random.normal(ks[2], (F_IN, H), dtype=jnp.float32) * (1.0 / np.sqrt(F_IN))
    b1 = jnp.zeros((H,), dtype=jnp.float32)
    W2 = jax.random.normal(ks[3], (H, H), dtype=jnp.float32) * (1.0 / np.sqrt(H))
    b2 = jnp.zeros((H,), dtype=jnp.float32)
    lin_W = jax.random.normal(ks[4], (H, C), dtype=jnp.float32) * (1.0 / np.sqrt(H))
    lin_b = jnp.zeros((C,), dtype=jnp.float32)
    return {"x": x, "edge_index": edge_index, "W1": W1, "b1": b1, "W2": W2, "b2": b2, "lin_W": lin_W, "lin_b": lin_b}


def gcn_conv(x, edge_index, W, b):
    n = x.shape[0]
    loop = jnp.arange(n, dtype=edge_index.dtype)
    src = jnp.concatenate([edge_index[0], loop])
    dst = jnp.concatenate([edge_index[1], loop])
    ew = jnp.ones(src.shape[0], dtype=x.dtype)
    deg = jax.ops.segment_sum(ew, dst, num_segments=n)
    dinv = jnp.where(deg > 0, deg ** -0.5, 0.0)
    norm = dinv[src] * dinv[dst]
    h = x @ W
    msg = norm[:, None] * jnp.take(h, src, axis=0)
    out = jax.ops.segment_sum(msg, dst, num_segments=n)
    return out + b


def reference(x, edge_index, W1, b1, W2, b2, lin_W, lin_b):
    # JKNet forward (eval mode: dropout is identity)
    xs = []
    h = x
    for W, b in ((W1, b1), (W2, b2)):
        h = gcn_conv(h, edge_index, W, b)
        h = jax.nn.relu(h)
        xs.append(h)
    hcat = jnp.stack(xs, axis=0)
    hmax = jnp.max(hcat, axis=0)
    out = hmax @ lin_W + lin_b
    return jax.nn.log_softmax(out, axis=1)

if __name__ == "__main__":
    import jax
    _d = setup_inputs()
    print(jax.jit(kernel)(*tuple(_d.values())))

</pallas_src>

<mosaic_0001>
#map = affine_map<(d0, d1) -> (0, 0)>
#map1 = affine_map<(d0, d1) -> (0)>
module attributes {stable_mosaic.version = 14 : i64} {
  func.func @_deg_kernel(%arg0: i32, %arg1: i32, %arg2: memref<2560x128xi32, #tpu.memory_space<hbm>>, %arg3: memref<10112xf32, #tpu.memory_space<hbm>>, %arg4: memref<128xf32, #tpu.memory_space<hbm>>, %arg5: memref<2x10112xf32, #tpu.memory_space<hbm>>, %arg6: memref<80x128xi32, #tpu.memory_space<vmem>>, %arg7: memref<128xf32, #tpu.memory_space<vmem>>, %arg8: memref<10112xf32, #tpu.memory_space<vmem_shared>>, %arg9: memref<!tpu.dma_semaphore, #tpu.memory_space<semaphore_mem>>) attributes {dimension_semantics = [#tpu.dimension_semantics<core_parallel>, #tpu.dimension_semantics<subcore_parallel>], iteration_bounds = array<i64: 2, 16>, scalar_prefetch = 0 : i64, scratch_operands = 4 : i64, tpu.core_type = #tpu.core_type<sc_vector_subcore>, window_params = [{transform_indices = #map}, {transform_indices = #map1}, {transform_indices = #map1}, {transform_indices = #map}]} {
    %mul3A = arith.constant 2 : i32
    %mul3A_0 = arith.muli %arg1, %mul3A : i32
    %add3A = arith.addi %mul3A_0, %arg0 : i32
    %eq3A = arith.constant 0 : i32
    %eq3A_1 = arith.cmpi eq, %arg1, %eq3A : i32
    %convert_element_type3A = arith.extui %eq3A_1 : i1 to i32
    %cond3A = arith.constant 0 : i32
    %cond3A_2 = arith.cmpi ne, %convert_element_type3A, %cond3A : i32
    scf.if %cond3A_2 {
      "tpu.region"() ({
        %run_scoped3A = tpu.sem_alloc : memref<!tpu.dma_semaphore, #tpu.memory_space<semaphore_mem>>
        tpu.enqueue_dma source(%arg3 : memref<10112xf32, #tpu.memory_space<hbm>>) target(%arg8 : memref<10112xf32, #tpu.memory_space<vmem_shared>>) target_semaphore(%run_scoped3A : memref<!tpu.dma_semaphore, #tpu.memory_space<semaphore_mem>>)
        tpu.wait_dma2 semaphore(%run_scoped3A : memref<!tpu.dma_semaphore, #tpu.memory_space<semaphore_mem>>) src(%arg3 : memref<10112xf32, #tpu.memory_space<hbm>>) dst(%arg8 : memref<10112xf32, #tpu.memory_space<vmem_shared>>)
        tpu.yield
      }) : () -> ()
    } else {
    }
    "tpu.region"() ({
      %run_scoped3A = tpu.sem_alloc : memref<!tpu.dma_semaphore, #tpu.memory_space<semaphore_mem>>
      tpu.enqueue_dma source(%arg4 : memref<128xf32, #tpu.memory_space<hbm>>) target(%arg7 : memref<128xf32, #tpu.memory_space<vmem>>) target_semaphore(%run_scoped3A : memref<!tpu.dma_semaphore, #tpu.memory_space<semaphore_mem>>)
      tpu.wait_dma2 semaphore(%run_scoped3A : memref<!tpu.dma_semaphore, #tpu.memory_space<semaphore_mem>>) src(%arg4 : memref<128xf32, #tpu.memory_space<hbm>>) dst(%arg7 : memref<128xf32, #tpu.memory_space<vmem>>)
      tpu.yield
    }) : () -> ()
    %mul3A_3 = arith.constant 80 : i32
    %mul3A_4 = arith.muli %add3A, %mul3A_3 : i32
    "tpu.region"() ({
      %run_scoped3A = tpu.sem_alloc : memref<!tpu.dma_semaphore, #tpu.memory_space<semaphore_mem>>
      %dma_start3A = arith.constant 0 : i32
      %dma_start3A_16 = tpu.memref_slice %arg2[%mul3A_4, %dma_start3A] : memref<2560x128xi32, #tpu.memory_space<hbm>> -> memref<80x128xi32, #tpu.memory_space<hbm>>
      %dma_start3A_17 = arith.constant 0 : i32
      %dma_start3A_18 = tpu.memref_slice %arg2[%mul3A_4, %dma_start3A_17] : memref<2560x128xi32, #tpu.memory_space<hbm>> -> memref<80x128xi32, #tpu.memory_space<hbm>>
      tpu.enqueue_dma source(%dma_start3A_18 : memref<80x128xi32, #tpu.memory_space<hbm>>) target(%arg6 : memref<80x128xi32, #tpu.memory_space<vmem>>) target_semaphore(%run_scoped3A : memref<!tpu.dma_semaphore, #tpu.memory_space<semaphore_mem>>)
      %dma_wait3A = arith.constant 0 : i32
      %dma_wait3A_19 = tpu.memref_slice %arg2[%mul3A_4, %dma_wait3A] : memref<2560x128xi32, #tpu.memory_space<hbm>> -> memref<80x128xi32, #tpu.memory_space<hbm>>
      %dma_wait3A_20 = arith.constant 0 : i32
      %dma_wait3A_21 = tpu.memref_slice %arg2[%mul3A_4, %dma_wait3A_20] : memref<2560x128xi32, #tpu.memory_space<hbm>> -> memref<80x128xi32, #tpu.memory_space<hbm>>
      tpu.wait_dma2 semaphore(%run_scoped3A : memref<!tpu.dma_semaphore, #tpu.memory_space<semaphore_mem>>) src(%dma_wait3A_21 : memref<80x128xi32, #tpu.memory_space<hbm>>) dst(%arg6 : memref<80x128xi32, #tpu.memory_space<vmem>>)
      tpu.yield
    }) : () -> ()
    %barrier3A = arith.constant 0 : index
    tpu.barrier barrier_id(%barrier3A)
    %scan3A = arith.constant 0 : i32
    %scan3A_5 = arith.constant 0 : i32
    %scan3A_6 = arith.constant 80 : i32
    %scan3A_7 = arith.addi %scan3A_5, %scan3A_6 : i32
    %scan3A_8 = arith.constant 1 : i32
    scf.for %scan3A_16 = %scan3A_5 to %scan3A_7 step %scan3A_8  : i32 {
      "tpu.region"() ({
        %run_scoped3A = tpu.sem_alloc : memref<!tpu.dma_semaphore, #tpu.memory_space<semaphore_mem>>
        %dma_start3A = arith.constant 0 : i32
        %dma_start3A_17 = tpu.memref_slice %arg6[%scan3A_16, %dma_start3A] : memref<80x128xi32, #tpu.memory_space<vmem>> -> memref<1x128xi32, #tpu.memory_space<vmem>>
        %dma_start3A_18 = tpu.memref_squeeze %dma_start3A_17 : memref<1x128xi32, #tpu.memory_space<vmem>> -> memref<128xi32, #tpu.memory_space<vmem>>
        %dma_start3A_19 = arith.constant 0 : i32
        %dma_start3A_20 = tpu.memref_slice %arg8[%dma_start3A_19] : memref<10112xf32, #tpu.memory_space<vmem_shared>> -> memref<10112xf32, #tpu.memory_space<vmem_shared>>
        tpu.enqueue_indirect_dma source(%arg7 : memref<128xf32, #tpu.memory_space<vmem>>) target(%dma_start3A_20 : memref<10112xf32, #tpu.memory_space<vmem_shared>>) offsets(%dma_start3A_18 : memref<128xi32, #tpu.memory_space<vmem>>) semaphore(%run_scoped3A : memref<!tpu.dma_semaphore, #tpu.memory_space<semaphore_mem>>) {add = true}
        %dma_wait3A = arith.constant 0 : i32
        %dma_wait3A_21 = tpu.memref_slice %arg6[%scan3A_16, %dma_wait3A] : memref<80x128xi32, #tpu.memory_space<vmem>> -> memref<1x128xi32, #tpu.memory_space<vmem>>
        %dma_wait3A_22 = tpu.memref_squeeze %dma_wait3A_21 : memref<1x128xi32, #tpu.memory_space<vmem>> -> memref<128xi32, #tpu.memory_space<vmem>>
        %dma_wait3A_23 = arith.constant 0 : i32
        %dma_wait3A_24 = tpu.memref_slice %arg8[%dma_wait3A_23] : memref<10112xf32, #tpu.memory_space<vmem_shared>> -> memref<10112xf32, #tpu.memory_space<vmem_shared>>
        tpu.wait_indirect_dma semaphore(%run_scoped3A : memref<!tpu.dma_semaphore, #tpu.memory_space<semaphore_mem>>) src(%arg7 : memref<128xf32, #tpu.memory_space<vmem>>) dst(%dma_wait3A_24 : memref<10112xf32, #tpu.memory_space<vmem_shared>>)
        tpu.yield
      }) : () -> ()
    }
    %scan3A_9 = arith.constant 80 : i32
    %barrier3A_10 = arith.constant 0 : index
    tpu.barrier barrier_id(%barrier3A_10)
    %eq3A_11 = arith.constant 0 : i32
    %eq3A_12 = arith.cmpi eq, %arg1, %eq3A_11 : i32
    %convert_element_type3A_13 = arith.extui %eq3A_12 : i1 to i32
    %cond3A_14 = arith.constant 0 : i32
    %cond3A_15 = arith.cmpi ne, %convert_element_type3A_13, %cond3A_14 : i32
    scf.if %cond3A_15 {
      "tpu.region"() ({
        %run_scoped3A = tpu.sem_alloc : memref<!tpu.dma_semaphore, #tpu.memory_space<semaphore_mem>>
        %dma_start3A = arith.constant 0 : i32
        %dma_start3A_16 = tpu.memref_slice %arg5[%arg0, %dma_start3A] : memref<2x10112xf32, #tpu.memory_space<hbm>> -> memref<1x10112xf32, #tpu.memory_space<hbm>>
        %dma_start3A_17 = tpu.memref_squeeze %dma_start3A_16 : memref<1x10112xf32, #tpu.memory_space<hbm>> -> memref<10112xf32, #tpu.memory_space<hbm>>
        tpu.enqueue_dma source(%arg8 : memref<10112xf32, #tpu.memory_space<vmem_shared>>) target(%dma_start3A_17 : memref<10112xf32, #tpu.memory_space<hbm>>) target_semaphore(%run_scoped3A : memref<!tpu.dma_semaphore, #tpu.memory_space<semaphore_mem>>)
        %dma_wait3A = arith.constant 0 : i32
        %dma_wait3A_18 = tpu.memref_slice %arg5[%arg0, %dma_wait3A] : memref<2x10112xf32, #tpu.memory_space<hbm>> -> memref<1x10112xf32, #tpu.memory_space<hbm>>
        %dma_wait3A_19 = tpu.memref_squeeze %dma_wait3A_18 : memref<1x10112xf32, #tpu.memory_space<hbm>> -> memref<10112xf32, #tpu.memory_space<hbm>>
        tpu.wait_dma2 semaphore(%run_scoped3A : memref<!tpu.dma_semaphore, #tpu.memory_space<semaphore_mem>>) src(%arg8 : memref<10112xf32, #tpu.memory_space<vmem_shared>>) dst(%dma_wait3A_19 : memref<10112xf32, #tpu.memory_space<hbm>>)
        tpu.yield
      }) : () -> ()
    } else {
    }
    return
  }
}

#map = affine_map<(d0, d1) -> (0, 0)>
#map1 = affine_map<(d0, d1) -> (0, 0, 0)>
module attributes {stable_mosaic.version = 14 : i64} {
  func.func @_edge_kernel(%arg0: i32, %arg1: i32, %arg2: memref<10000x128xf32, #tpu.memory_space<hbm>>, %arg3: memref<2560x128xi32, #tpu.memory_space<hbm>>, %arg4: memref<2560x128xi32, #tpu.memory_space<hbm>>, %arg5: memref<10112x128xf32, #tpu.memory_space<hbm>>, %arg6: memref<2x10112x128xf32, #tpu.memory_space<hbm>>, %arg7: memref<40x128xi32, #tpu.memory_space<vmem>>, %arg8: memref<40x128xi32, #tpu.memory_space<vmem>>, %arg9: memref<128x128xf32, #tpu.memory_space<vmem>>, %arg10: memref<128x128xf32, #tpu.memory_space<vmem>>, %arg11: memref<10112x128xf32, #tpu.memory_space<vmem_shared>>, %arg12: memref<!tpu.dma_semaphore, #tpu.memory_space<semaphore_mem>>) attributes {dimension_semantics = [#tpu.dimension_semantics<core_parallel>, #tpu.dimension_semantics<subcore_parallel>], iteration_bounds = array<i64: 2, 16>, scalar_prefetch = 0 : i64, scratch_operands = 6 : i64, tpu.core_type = #tpu.core_type<sc_vector_subcore>, window_params = [{transform_indices = #map}, {transform_indices = #map}, {transform_indices = #map}, {transform_indices = #map}, {transform_indices = #map1}]} {
    %mul3A = arith.constant 632 : i32
    %mul3A_0 = arith.muli %arg1, %mul3A : i32
    %mul3A_1 = arith.constant 632 : i32
    %mul3A_2 = arith.muli %arg1, %mul3A_1 : i32
    "tpu.region"() ({
      %run_scoped3A = tpu.sem_alloc : memref<!tpu.dma_semaphore, #tpu.memory_space<semaphore_mem>>
      %dma_start3A = arith.constant 0 : i32
      %dma_start3A_13 = tpu.memref_slice %arg11[%mul3A_2, %dma_start3A] : memref<10112x128xf32, #tpu.memory_space<vmem_shared>> -> memref<632x128xf32, #tpu.memory_space<vmem_shared>>
      %dma_start3A_14 = arith.constant 0 : i32
      %dma_start3A_15 = tpu.memref_slice %arg5[%mul3A_0, %dma_start3A_14] : memref<10112x128xf32, #tpu.memory_space<hbm>> -> memref<632x128xf32, #tpu.memory_space<hbm>>
      tpu.enqueue_dma source(%dma_start3A_15 : memref<632x128xf32, #tpu.memory_space<hbm>>) target(%dma_start3A_13 : memref<632x128xf32, #tpu.memory_space<vmem_shared>>) target_semaphore(%run_scoped3A : memref<!tpu.dma_semaphore, #tpu.memory_space<semaphore_mem>>)
      %dma_wait3A = arith.constant 0 : i32
      %dma_wait3A_16 = tpu.memref_slice %arg11[%mul3A_2, %dma_wait3A] : memref<10112x128xf32, #tpu.memory_space<vmem_shared>> -> memref<632x128xf32, #tpu.memory_space<vmem_shared>>
      %dma_wait3A_17 = arith.constant 0 : i32
      %dma_wait3A_18 = tpu.memref_slice %arg5[%mul3A_0, %dma_wait3A_17] : memref<10112x128xf32, #tpu.memory_space<hbm>> -> memref<632x128xf32, #tpu.memory_space<hbm>>
      tpu.wait_dma2 semaphore(%run_scoped3A : memref<!tpu.dma_semaphore, #tpu.memory_space<semaphore_mem>>) src(%dma_wait3A_18 : memref<632x128xf32, #tpu.memory_space<hbm>>) dst(%dma_wait3A_16 : memref<632x128xf32, #tpu.memory_space<vmem_shared>>)
      tpu.yield
    }) : () -> ()
    %barrier3A = arith.constant 0 : index
    tpu.barrier barrier_id(%barrier3A)
    %scan3A = arith.constant 0 : i32
    %scan3A_3 = arith.constant 0 : i32
    %scan3A_4 = arith.constant 2 : i32
    %scan3A_5 = arith.addi %scan3A_3, %scan3A_4 : i32
    %scan3A_6 = arith.constant 1 : i32
    scf.for %scan3A_13 = %scan3A_3 to %scan3A_5 step %scan3A_6  : i32 {
      %mul3A_14 = arith.constant 2 : i32
      %mul3A_15 = arith.muli %arg1, %mul3A_14 : i32
      %add3A = arith.addi %mul3A_15, %arg0 : i32
      %mul3A_16 = arith.constant 80 : i32
      %mul3A_17 = arith.muli %add3A, %mul3A_16 : i32
      %mul3A_18 = arith.constant 40 : i32
      %mul3A_19 = arith.muli %scan3A_13, %mul3A_18 : i32
      %add3A_20 = arith.addi %mul3A_17, %mul3A_19 : i32
      "tpu.region"() ({
        %run_scoped3A = tpu.sem_alloc : memref<!tpu.dma_semaphore, #tpu.memory_space<semaphore_mem>>
        %dma_start3A_33 = arith.constant 0 : i32
        %dma_start3A_34 = tpu.memref_slice %arg3[%add3A_20, %dma_start3A_33] : memref<2560x128xi32, #tpu.memory_space<hbm>> -> memref<40x128xi32, #tpu.memory_space<hbm>>
        %dma_start3A_35 = arith.constant 0 : i32
        %dma_start3A_36 = tpu.memref_slice %arg3[%add3A_20, %dma_start3A_35] : memref<2560x128xi32, #tpu.memory_space<hbm>> -> memref<40x128xi32, #tpu.memory_space<hbm>>
        tpu.enqueue_dma source(%dma_start3A_36 : memref<40x128xi32, #tpu.memory_space<hbm>>) target(%arg7 : memref<40x128xi32, #tpu.memory_space<vmem>>) target_semaphore(%run_scoped3A : memref<!tpu.dma_semaphore, #tpu.memory_space<semaphore_mem>>)
        %dma_wait3A = arith.constant 0 : i32
        %dma_wait3A_37 = tpu.memref_slice %arg3[%add3A_20, %dma_wait3A] : memref<2560x128xi32, #tpu.memory_space<hbm>> -> memref<40x128xi32, #tpu.memory_space<hbm>>
        %dma_wait3A_38 = arith.constant 0 : i32
        %dma_wait3A_39 = tpu.memref_slice %arg3[%add3A_20, %dma_wait3A_38] : memref<2560x128xi32, #tpu.memory_space<hbm>> -> memref<40x128xi32, #tpu.memory_space<hbm>>
        tpu.wait_dma2 semaphore(%run_scoped3A : memref<!tpu.dma_semaphore, #tpu.memory_space<semaphore_mem>>) src(%dma_wait3A_39 : memref<40x128xi32, #tpu.memory_space<hbm>>) dst(%arg7 : memref<40x128xi32, #tpu.memory_space<vmem>>)
        tpu.yield
      }) : () -> ()
      "tpu.region"() ({
        %run_scoped3A = tpu.sem_alloc : memref<!tpu.dma_semaphore, #tpu.memory_space<semaphore_mem>>
        %dma_start3A_33 = arith.constant 0 : i32
        %dma_start3A_34 = tpu.memref_slice %arg4[%add3A_20, %dma_start3A_33] : memref<2560x128xi32, #tpu.memory_space<hbm>> -> memref<40x128xi32, #tpu.memory_space<hbm>>
        %dma_start3A_35 = arith.constant 0 : i32
        %dma_start3A_36 = tpu.memref_slice %arg4[%add3A_20, %dma_start3A_35] : memref<2560x128xi32, #tpu.memory_space<hbm>> -> memref<40x128xi32, #tpu.memory_space<hbm>>
        tpu.enqueue_dma source(%dma_start3A_36 : memref<40x128xi32, #tpu.memory_space<hbm>>) target(%arg8 : memref<40x128xi32, #tpu.memory_space<vmem>>) target_semaphore(%run_scoped3A : memref<!tpu.dma_semaphore, #tpu.memory_space<semaphore_mem>>)
        %dma_wait3A = arith.constant 0 : i32
        %dma_wait3A_37 = tpu.memref_slice %arg4[%add3A_20, %dma_wait3A] : memref<2560x128xi32, #tpu.memory_space<hbm>> -> memref<40x128xi32, #tpu.memory_space<hbm>>
        %dma_wait3A_38 = arith.constant 0 : i32
        %dma_wait3A_39 = tpu.memref_slice %arg4[%add3A_20, %dma_wait3A_38] : memref<2560x128xi32, #tpu.memory_space<hbm>> -> memref<40x128xi32, #tpu.memory_space<hbm>>
        tpu.wait_dma2 semaphore(%run_scoped3A : memref<!tpu.dma_semaphore, #tpu.memory_space<semaphore_mem>>) src(%dma_wait3A_39 : memref<40x128xi32, #tpu.memory_space<hbm>>) dst(%arg8 : memref<40x128xi32, #tpu.memory_space<vmem>>)
        tpu.yield
      }) : () -> ()
      %dma_start3A = arith.constant 0 : i32
      %dma_start3A_21 = arith.constant 0 : i32
      %dma_start3A_22 = tpu.memref_slice %arg7[%dma_start3A, %dma_start3A_21] : memref<40x128xi32, #tpu.memory_space<vmem>> -> memref<1x128xi32, #tpu.memory_space<vmem>>
      %dma_start3A_23 = tpu.memref_squeeze %dma_start3A_22 : memref<1x128xi32, #tpu.memory_space<vmem>> -> memref<128xi32, #tpu.memory_space<vmem>>
      %dma_start3A_24 = arith.constant 0 : i32
      %dma_start3A_25 = arith.constant 0 : i32
      %dma_start3A_26 = tpu.memref_slice %arg2[%dma_start3A_24, %dma_start3A_25] : memref<10000x128xf32, #tpu.memory_space<hbm>> -> memref<10000x128xf32, #tpu.memory_space<hbm>>
      tpu.enqueue_indirect_dma source(%dma_start3A_26 : memref<10000x128xf32, #tpu.memory_space<hbm>>) target(%arg9 : memref<128x128xf32, #tpu.memory_space<vmem>>) offsets(%dma_start3A_23 : memref<128xi32, #tpu.memory_space<vmem>>) semaphore(%arg12 : memref<!tpu.dma_semaphore, #tpu.memory_space<semaphore_mem>>)
      %scan3A_27 = arith.constant 0 : i32
      %scan3A_28 = arith.constant 0 : i32
      %scan3A_29 = arith.constant 20 : i32
      %scan3A_30 = arith.addi %scan3A_28, %scan3A_29 : i32
      %scan3A_31 = arith.constant 1 : i32
      scf.for %scan3A_33 = %scan3A_28 to %scan3A_30 step %scan3A_31  : i32 {
        %mul3A_34 = arith.constant 2 : i32
        %mul3A_35 = arith.muli %scan3A_33, %mul3A_34 : i32
        %add3A_36 = arith.constant 1 : i32
        %add3A_37 = arith.addi %mul3A_35, %add3A_36 : i32
        %dma_start3A_38 = arith.constant 0 : i32
        %dma_start3A_39 = tpu.memref_slice %arg7[%add3A_37, %dma_start3A_38] : memref<40x128xi32, #tpu.memory_space<vmem>> -> memref<1x128xi32, #tpu.memory_space<vmem>>
        %dma_start3A_40 = tpu.memref_squeeze %dma_start3A_39 : memref<1x128xi32, #tpu.memory_space<vmem>> -> memref<128xi32, #tpu.memory_space<vmem>>
        %dma_start3A_41 = arith.constant 0 : i32
        %dma_start3A_42 = arith.constant 0 : i32
        %dma_start3A_43 = tpu.memref_slice %arg2[%dma_start3A_41, %dma_start3A_42] : memref<10000x128xf32, #tpu.memory_space<hbm>> -> memref<10000x128xf32, #tpu.memory_space<hbm>>
        tpu.enqueue_indirect_dma source(%dma_start3A_43 : memref<10000x128xf32, #tpu.memory_space<hbm>>) target(%arg10 : memref<128x128xf32, #tpu.memory_space<vmem>>) offsets(%dma_start3A_40 : memref<128xi32, #tpu.memory_space<vmem>>) semaphore(%arg12 : memref<!tpu.dma_semaphore, #tpu.memory_space<semaphore_mem>>)
        %dma_wait3A = arith.constant 0 : i32
        %dma_wait3A_44 = tpu.memref_slice %arg7[%mul3A_35, %dma_wait3A] : memref<40x128xi32, #tpu.memory_space<vmem>> -> memref<1x128xi32, #tpu.memory_space<vmem>>
        %dma_wait3A_45 = tpu.memref_squeeze %dma_wait3A_44 : memref<1x128xi32, #tpu.memory_space<vmem>> -> memref<128xi32, #tpu.memory_space<vmem>>
        %dma_wait3A_46 = arith.constant 0 : i32
        %dma_wait3A_47 = arith.constant 0 : i32
        %dma_wait3A_48 = tpu.memref_slice %arg2[%dma_wait3A_46, %dma_wait3A_47] : memref<10000x128xf32, #tpu.memory_space<hbm>> -> memref<10000x128xf32, #tpu.memory_space<hbm>>
        tpu.wait_indirect_dma semaphore(%arg12 : memref<!tpu.dma_semaphore, #tpu.memory_space<semaphore_mem>>) src(%dma_wait3A_48 : memref<10000x128xf32, #tpu.memory_space<hbm>>) dst(%arg9 : memref<128x128xf32, #tpu.memory_space<vmem>>)
        "tpu.region"() ({
          %run_scoped3A = tpu.sem_alloc : memref<!tpu.dma_semaphore, #tpu.memory_space<semaphore_mem>>
          %dma_start3A_61 = arith.constant 0 : i32
          %dma_start3A_62 = tpu.memref_slice %arg8[%mul3A_35, %dma_start3A_61] : memref<40x128xi32, #tpu.memory_space<vmem>> -> memref<1x128xi32, #tpu.memory_space<vmem>>
          %dma_start3A_63 = tpu.memref_squeeze %dma_start3A_62 : memref<1x128xi32, #tpu.memory_space<vmem>> -> memref<128xi32, #tpu.memory_space<vmem>>
          %dma_start3A_64 = arith.constant 0 : i32
          %dma_start3A_65 = arith.constant 0 : i32
          %dma_start3A_66 = tpu.memref_slice %arg11[%dma_start3A_64, %dma_start3A_65] : memref<10112x128xf32, #tpu.memory_space<vmem_shared>> -> memref<10112x128xf32, #tpu.memory_space<vmem_shared>>
          tpu.enqueue_indirect_dma source(%arg9 : memref<128x128xf32, #tpu.memory_space<vmem>>) target(%dma_start3A_66 : memref<10112x128xf32, #tpu.memory_space<vmem_shared>>) offsets(%dma_start3A_63 : memref<128xi32, #tpu.memory_space<vmem>>) semaphore(%run_scoped3A : memref<!tpu.dma_semaphore, #tpu.memory_space<semaphore_mem>>) {add = true}
          %dma_wait3A_67 = arith.constant 0 : i32
          %dma_wait3A_68 = tpu.memref_slice %arg8[%mul3A_35, %dma_wait3A_67] : memref<40x128xi32, #tpu.memory_space<vmem>> -> memref<1x128xi32, #tpu.memory_space<vmem>>
          %dma_wait3A_69 = tpu.memref_squeeze %dma_wait3A_68 : memref<1x128xi32, #tpu.memory_space<vmem>> -> memref<128xi32, #tpu.memory_space<vmem>>
          %dma_wait3A_70 = arith.constant 0 : i32
          %dma_wait3A_71 = arith.constant 0 : i32
          %dma_wait3A_72 = tpu.memref_slice %arg11[%dma_wait3A_70, %dma_wait3A_71] : memref<10112x128xf32, #tpu.memory_space<vmem_shared>> -> memref<10112x128xf32, #tpu.memory_space<vmem_shared>>
          tpu.wait_indirect_dma semaphore(%run_scoped3A : memref<!tpu.dma_semaphore, #tpu.memory_space<semaphore_mem>>) src(%arg9 : memref<128x128xf32, #tpu.memory_space<vmem>>) dst(%dma_wait3A_72 : memref<10112x128xf32, #tpu.memory_space<vmem_shared>>)
          tpu.yield
        }) : () -> ()
        %lt3A = arith.constant 19 : i32
        %lt3A_49 = arith.cmpi slt, %scan3A_33, %lt3A : i32
        %convert_element_type3A = arith.extui %lt3A_49 : i1 to i32
        %cond3A = arith.constant 0 : i32
        %cond3A_50 = arith.cmpi ne, %convert_element_type3A, %cond3A : i32
        scf.if %cond3A_50 {
          %add3A_61 = arith.constant 2 : i32
          %add3A_62 = arith.addi %mul3A_35, %add3A_61 : i32
          %dma_start3A_63 = arith.constant 0 : i32
          %dma_start3A_64 = tpu.memref_slice %arg7[%add3A_62, %dma_start3A_63] : memref<40x128xi32, #tpu.memory_space<vmem>> -> memref<1x128xi32, #tpu.memory_space<vmem>>
          %dma_start3A_65 = tpu.memref_squeeze %dma_start3A_64 : memref<1x128xi32, #tpu.memory_space<vmem>> -> memref<128xi32, #tpu.memory_space<vmem>>
          %dma_start3A_66 = arith.constant 0 : i32
          %dma_start3A_67 = arith.constant 0 : i32
          %dma_start3A_68 = tpu.memref_slice %arg2[%dma_start3A_66, %dma_start3A_67] : memref<10000x128xf32, #tpu.memory_space<hbm>> -> memref<10000x128xf32, #tpu.memory_space<hbm>>
          tpu.enqueue_indirect_dma source(%dma_start3A_68 : memref<10000x128xf32, #tpu.memory_space<hbm>>) target(%arg9 : memref<128x128xf32, #tpu.memory_space<vmem>>) offsets(%dma_start3A_65 : memref<128xi32, #tpu.memory_space<vmem>>) semaphore(%arg12 : memref<!tpu.dma_semaphore, #tpu.memory_space<semaphore_mem>>)
        } else {
        }
        %add3A_51 = arith.constant 1 : i32
        %add3A_52 = arith.addi %mul3A_35, %add3A_51 : i32
        %dma_wait3A_53 = arith.constant 0 : i32
        %dma_wait3A_54 = tpu.memref_slice %arg7[%add3A_52, %dma_wait3A_53] : memref<40x128xi32, #tpu.memory_space<vmem>> -> memref<1x128xi32, #tpu.memory_space<vmem>>
        %dma_wait3A_55 = tpu.memref_squeeze %dma_wait3A_54 : memref<1x128xi32, #tpu.memory_space<vmem>> -> memref<128xi32, #tpu.memory_space<vmem>>
        %dma_wait3A_56 = arith.constant 0 : i32
        %dma_wait3A_57 = arith.constant 0 : i32
        %dma_wait3A_58 = tpu.memref_slice %arg2[%dma_wait3A_56, %dma_wait3A_57] : memref<10000x128xf32, #tpu.memory_space<hbm>> -> memref<10000x128xf32, #tpu.memory_space<hbm>>
        tpu.wait_indirect_dma semaphore(%arg12 : memref<!tpu.dma_semaphore, #tpu.memory_space<semaphore_mem>>) src(%dma_wait3A_58 : memref<10000x128xf32, #tpu.memory_space<hbm>>) dst(%arg10 : memref<128x128xf32, #tpu.memory_space<vmem>>)
        %add3A_59 = arith.constant 1 : i32
        %add3A_60 = arith.addi %mul3A_35, %add3A_59 : i32
        "tpu.region"() ({
          %run_scoped3A = tpu.sem_alloc : memref<!tpu.dma_semaphore, #tpu.memory_space<semaphore_mem>>
          %dma_start3A_61 = arith.constant 0 : i32
          %dma_start3A_62 = tpu.memref_slice %arg8[%add3A_60, %dma_start3A_61] : memref<40x128xi32, #tpu.memory_space<vmem>> -> memref<1x128xi32, #tpu.memory_space<vmem>>
          %dma_start3A_63 = tpu.memref_squeeze %dma_start3A_62 : memref<1x128xi32, #tpu.memory_space<vmem>> -> memref<128xi32, #tpu.memory_space<vmem>>
          %dma_start3A_64 = arith.constant 0 : i32
          %dma_start3A_65 = arith.constant 0 : i32
          %dma_start3A_66 = tpu.memref_slice %arg11[%dma_start3A_64, %dma_start3A_65] : memref<10112x128xf32, #tpu.memory_space<vmem_shared>> -> memref<10112x128xf32, #tpu.memory_space<vmem_shared>>
          tpu.enqueue_indirect_dma source(%arg10 : memref<128x128xf32, #tpu.memory_space<vmem>>) target(%dma_start3A_66 : memref<10112x128xf32, #tpu.memory_space<vmem_shared>>) offsets(%dma_start3A_63 : memref<128xi32, #tpu.memory_space<vmem>>) semaphore(%run_scoped3A : memref<!tpu.dma_semaphore, #tpu.memory_space<semaphore_mem>>) {add = true}
          %dma_wait3A_67 = arith.constant 0 : i32
          %dma_wait3A_68 = tpu.memref_slice %arg8[%add3A_60, %dma_wait3A_67] : memref<40x128xi32, #tpu.memory_space<vmem>> -> memref<1x128xi32, #tpu.memory_space<vmem>>
          %dma_wait3A_69 = tpu.memref_squeeze %dma_wait3A_68 : memref<1x128xi32, #tpu.memory_space<vmem>> -> memref<128xi32, #tpu.memory_space<vmem>>
          %dma_wait3A_70 = arith.constant 0 : i32
          %dma_wait3A_71 = arith.constant 0 : i32
          %dma_wait3A_72 = tpu.memref_slice %arg11[%dma_wait3A_70, %dma_wait3A_71] : memref<10112x128xf32, #tpu.memory_space<vmem_shared>> -> memref<10112x128xf32, #tpu.memory_space<vmem_shared>>
          tpu.wait_indirect_dma semaphore(%run_scoped3A : memref<!tpu.dma_semaphore, #tpu.memory_space<semaphore_mem>>) src(%arg10 : memref<128x128xf32, #tpu.memory_space<vmem>>) dst(%dma_wait3A_72 : memref<10112x128xf32, #tpu.memory_space<vmem_shared>>)
          tpu.yield
        }) : () -> ()
      }
      %scan3A_32 = arith.constant 20 : i32
    }
    %scan3A_7 = arith.constant 2 : i32
    %barrier3A_8 = arith.constant 0 : index
    tpu.barrier barrier_id(%barrier3A_8)
    %mul3A_9 = arith.constant 632 : i32
    %mul3A_10 = arith.muli %arg1, %mul3A_9 : i32
    %mul3A_11 = arith.constant 632 : i32
    %mul3A_12 = arith.muli %arg1, %mul3A_11 : i32
    "tpu.region"() ({
      %run_scoped3A = tpu.sem_alloc : memref<!tpu.dma_semaphore, #tpu.memory_space<semaphore_mem>>
      %dma_start3A = arith.constant 0 : i32
      %dma_start3A_13 = tpu.memref_slice %arg6[%arg0, %mul3A_12, %dma_start3A] : memref<2x10112x128xf32, #tpu.memory_space<hbm>> -> memref<1x632x128xf32, #tpu.memory_space<hbm>>
      %dma_start3A_14 = tpu.memref_squeeze %dma_start3A_13 : memref<1x632x128xf32, #tpu.memory_space<hbm>> -> memref<632x128xf32, #tpu.memory_space<hbm>>
      %dma_start3A_15 = arith.constant 0 : i32
      %dma_start3A_16 = tpu.memref_slice %arg11[%mul3A_10, %dma_start3A_15] : memref<10112x128xf32, #tpu.memory_space<vmem_shared>> -> memref<632x128xf32, #tpu.memory_space<vmem_shared>>
      tpu.enqueue_dma source(%dma_start3A_16 : memref<632x128xf32, #tpu.memory_space<vmem_shared>>) target(%dma_start3A_14 : memref<632x128xf32, #tpu.memory_space<hbm>>) target_semaphore(%run_scoped3A : memref<!tpu.dma_semaphore, #tpu.memory_space<semaphore_mem>>)
      %dma_wait3A = arith.constant 0 : i32
      %dma_wait3A_17 = tpu.memref_slice %arg6[%arg0, %mul3A_12, %dma_wait3A] : memref<2x10112x128xf32, #tpu.memory_space<hbm>> -> memref<1x632x128xf32, #tpu.memory_space<hbm>>
      %dma_wait3A_18 = tpu.memref_squeeze %dma_wait3A_17 : memref<1x632x128xf32, #tpu.memory_space<hbm>> -> memref<632x128xf32, #tpu.memory_space<hbm>>
      %dma_wait3A_19 = arith.constant 0 : i32
      %dma_wait3A_20 = tpu.memref_slice %arg11[%mul3A_10, %dma_wait3A_19] : memref<10112x128xf32, #tpu.memory_space<vmem_shared>> -> memref<632x128xf32, #tpu.memory_space<vmem_shared>>
      tpu.wait_dma2 semaphore(%run_scoped3A : memref<!tpu.dma_semaphore, #tpu.memory_space<semaphore_mem>>) src(%dma_wait3A_20 : memref<632x128xf32, #tpu.memory_space<vmem_shared>>) dst(%dma_wait3A_18 : memref<632x128xf32, #tpu.memory_space<hbm>>)
      tpu.yield
    }) : () -> ()
    return
  }
}

#map = affine_map<(d0, d1) -> (0, 0)>
#map1 = affine_map<(d0, d1) -> (0, 0, 0)>
module attributes {stable_mosaic.version = 14 : i64} {
  func.func @_edge_kernel(%arg0: i32, %arg1: i32, %arg2: memref<10000x128xf32, #tpu.memory_space<hbm>>, %arg3: memref<2560x128xi32, #tpu.memory_space<hbm>>, %arg4: memref<2560x128xi32, #tpu.memory_space<hbm>>, %arg5: memref<10112x128xf32, #tpu.memory_space<hbm>>, %arg6: memref<2x10112x128xf32, #tpu.memory_space<hbm>>, %arg7: memref<40x128xi32, #tpu.memory_space<vmem>>, %arg8: memref<40x128xi32, #tpu.memory_space<vmem>>, %arg9: memref<128x128xf32, #tpu.memory_space<vmem>>, %arg10: memref<128x128xf32, #tpu.memory_space<vmem>>, %arg11: memref<10112x128xf32, #tpu.memory_space<vmem_shared>>, %arg12: memref<!tpu.dma_semaphore, #tpu.memory_space<semaphore_mem>>) attributes {dimension_semantics = [#tpu.dimension_semantics<core_parallel>, #tpu.dimension_semantics<subcore_parallel>], iteration_bounds = array<i64: 2, 16>, scalar_prefetch = 0 : i64, scratch_operands = 6 : i64, tpu.core_type = #tpu.core_type<sc_vector_subcore>, window_params = [{transform_indices = #map}, {transform_indices = #map}, {transform_indices = #map}, {transform_indices = #map}, {transform_indices = #map1}]} {
    %mul3A = arith.constant 632 : i32
    %mul3A_0 = arith.muli %arg1, %mul3A : i32
    %mul3A_1 = arith.constant 632 : i32
    %mul3A_2 = arith.muli %arg1, %mul3A_1 : i32
    "tpu.region"() ({
      %run_scoped3A = tpu.sem_alloc : memref<!tpu.dma_semaphore, #tpu.memory_space<semaphore_mem>>
      %dma_start3A = arith.constant 0 : i32
      %dma_start3A_13 = tpu.memref_slice %arg11[%mul3A_2, %dma_start3A] : memref<10112x128xf32, #tpu.memory_space<vmem_shared>> -> memref<632x128xf32, #tpu.memory_space<vmem_shared>>
      %dma_start3A_14 = arith.constant 0 : i32
      %dma_start3A_15 = tpu.memref_slice %arg5[%mul3A_0, %dma_start3A_14] : memref<10112x128xf32, #tpu.memory_space<hbm>> -> memref<632x128xf32, #tpu.memory_space<hbm>>
      tpu.enqueue_dma source(%dma_start3A_15 : memref<632x128xf32, #tpu.memory_space<hbm>>) target(%dma_start3A_13 : memref<632x128xf32, #tpu.memory_space<vmem_shared>>) target_semaphore(%run_scoped3A : memref<!tpu.dma_semaphore, #tpu.memory_space<semaphore_mem>>)
      %dma_wait3A = arith.constant 0 : i32
      %dma_wait3A_16 = tpu.memref_slice %arg11[%mul3A_2, %dma_wait3A] : memref<10112x128xf32, #tpu.memory_space<vmem_shared>> -> memref<632x128xf32, #tpu.memory_space<vmem_shared>>
      %dma_wait3A_17 = arith.constant 0 : i32
      %dma_wait3A_18 = tpu.memref_slice %arg5[%mul3A_0, %dma_wait3A_17] : memref<10112x128xf32, #tpu.memory_space<hbm>> -> memref<632x128xf32, #tpu.memory_space<hbm>>
      tpu.wait_dma2 semaphore(%run_scoped3A : memref<!tpu.dma_semaphore, #tpu.memory_space<semaphore_mem>>) src(%dma_wait3A_18 : memref<632x128xf32, #tpu.memory_space<hbm>>) dst(%dma_wait3A_16 : memref<632x128xf32, #tpu.memory_space<vmem_shared>>)
      tpu.yield
    }) : () -> ()
    %barrier3A = arith.constant 0 : index
    tpu.barrier barrier_id(%barrier3A)
    %scan3A = arith.constant 0 : i32
    %scan3A_3 = arith.constant 0 : i32
    %scan3A_4 = arith.constant 2 : i32
    %scan3A_5 = arith.addi %scan3A_3, %scan3A_4 : i32
    %scan3A_6 = arith.constant 1 : i32
    scf.for %scan3A_13 = %scan3A_3 to %scan3A_5 step %scan3A_6  : i32 {
      %mul3A_14 = arith.constant 2 : i32
      %mul3A_15 = arith.muli %arg1, %mul3A_14 : i32
      %add3A = arith.addi %mul3A_15, %arg0 : i32
      %mul3A_16 = arith.constant 80 : i32
      %mul3A_17 = arith.muli %add3A, %mul3A_16 : i32
      %mul3A_18 = arith.constant 40 : i32
      %mul3A_19 = arith.muli %scan3A_13, %mul3A_18 : i32
      %add3A_20 = arith.addi %mul3A_17, %mul3A_19 : i32
      "tpu.region"() ({
        %run_scoped3A = tpu.sem_alloc : memref<!tpu.dma_semaphore, #tpu.memory_space<semaphore_mem>>
        %dma_start3A_33 = arith.constant 0 : i32
        %dma_start3A_34 = tpu.memref_slice %arg3[%add3A_20, %dma_start3A_33] : memref<2560x128xi32, #tpu.memory_space<hbm>> -> memref<40x128xi32, #tpu.memory_space<hbm>>
        %dma_start3A_35 = arith.constant 0 : i32
        %dma_start3A_36 = tpu.memref_slice %arg3[%add3A_20, %dma_start3A_35] : memref<2560x128xi32, #tpu.memory_space<hbm>> -> memref<40x128xi32, #tpu.memory_space<hbm>>
        tpu.enqueue_dma source(%dma_start3A_36 : memref<40x128xi32, #tpu.memory_space<hbm>>) target(%arg7 : memref<40x128xi32, #tpu.memory_space<vmem>>) target_semaphore(%run_scoped3A : memref<!tpu.dma_semaphore, #tpu.memory_space<semaphore_mem>>)
        %dma_wait3A = arith.constant 0 : i32
        %dma_wait3A_37 = tpu.memref_slice %arg3[%add3A_20, %dma_wait3A] : memref<2560x128xi32, #tpu.memory_space<hbm>> -> memref<40x128xi32, #tpu.memory_space<hbm>>
        %dma_wait3A_38 = arith.constant 0 : i32
        %dma_wait3A_39 = tpu.memref_slice %arg3[%add3A_20, %dma_wait3A_38] : memref<2560x128xi32, #tpu.memory_space<hbm>> -> memref<40x128xi32, #tpu.memory_space<hbm>>
        tpu.wait_dma2 semaphore(%run_scoped3A : memref<!tpu.dma_semaphore, #tpu.memory_space<semaphore_mem>>) src(%dma_wait3A_39 : memref<40x128xi32, #tpu.memory_space<hbm>>) dst(%arg7 : memref<40x128xi32, #tpu.memory_space<vmem>>)
        tpu.yield
      }) : () -> ()
      "tpu.region"() ({
        %run_scoped3A = tpu.sem_alloc : memref<!tpu.dma_semaphore, #tpu.memory_space<semaphore_mem>>
        %dma_start3A_33 = arith.constant 0 : i32
        %dma_start3A_34 = tpu.memref_slice %arg4[%add3A_20, %dma_start3A_33] : memref<2560x128xi32, #tpu.memory_space<hbm>> -> memref<40x128xi32, #tpu.memory_space<hbm>>
        %dma_start3A_35 = arith.constant 0 : i32
        %dma_start3A_36 = tpu.memref_slice %arg4[%add3A_20, %dma_start3A_35] : memref<2560x128xi32, #tpu.memory_space<hbm>> -> memref<40x128xi32, #tpu.memory_space<hbm>>
        tpu.enqueue_dma source(%dma_start3A_36 : memref<40x128xi32, #tpu.memory_space<hbm>>) target(%arg8 : memref<40x128xi32, #tpu.memory_space<vmem>>) target_semaphore(%run_scoped3A : memref<!tpu.dma_semaphore, #tpu.memory_space<semaphore_mem>>)
        %dma_wait3A = arith.constant 0 : i32
        %dma_wait3A_37 = tpu.memref_slice %arg4[%add3A_20, %dma_wait3A] : memref<2560x128xi32, #tpu.memory_space<hbm>> -> memref<40x128xi32, #tpu.memory_space<hbm>>
        %dma_wait3A_38 = arith.constant 0 : i32
        %dma_wait3A_39 = tpu.memref_slice %arg4[%add3A_20, %dma_wait3A_38] : memref<2560x128xi32, #tpu.memory_space<hbm>> -> memref<40x128xi32, #tpu.memory_space<hbm>>
        tpu.wait_dma2 semaphore(%run_scoped3A : memref<!tpu.dma_semaphore, #tpu.memory_space<semaphore_mem>>) src(%dma_wait3A_39 : memref<40x128xi32, #tpu.memory_space<hbm>>) dst(%arg8 : memref<40x128xi32, #tpu.memory_space<vmem>>)
        tpu.yield
      }) : () -> ()
      %dma_start3A = arith.constant 0 : i32
      %dma_start3A_21 = arith.constant 0 : i32
      %dma_start3A_22 = tpu.memref_slice %arg7[%dma_start3A, %dma_start3A_21] : memref<40x128xi32, #tpu.memory_space<vmem>> -> memref<1x128xi32, #tpu.memory_space<vmem>>
      %dma_start3A_23 = tpu.memref_squeeze %dma_start3A_22 : memref<1x128xi32, #tpu.memory_space<vmem>> -> memref<128xi32, #tpu.memory_space<vmem>>
      %dma_start3A_24 = arith.constant 0 : i32
      %dma_start3A_25 = arith.constant 0 : i32
      %dma_start3A_26 = tpu.memref_slice %arg2[%dma_start3A_24, %dma_start3A_25] : memref<10000x128xf32, #tpu.memory_space<hbm>> -> memref<10000x128xf32, #tpu.memory_space<hbm>>
      tpu.enqueue_indirect_dma source(%dma_start3A_26 : memref<10000x128xf32, #tpu.memory_space<hbm>>) target(%arg9 : memref<128x128xf32, #tpu.memory_space<vmem>>) offsets(%dma_start3A_23 : memref<128xi32, #tpu.memory_space<vmem>>) semaphore(%arg12 : memref<!tpu.dma_semaphore, #tpu.memory_space<semaphore_mem>>)
      %scan3A_27 = arith.constant 0 : i32
      %scan3A_28 = arith.constant 0 : i32
      %scan3A_29 = arith.constant 20 : i32
      %scan3A_30 = arith.addi %scan3A_28, %scan3A_29 : i32
      %scan3A_31 = arith.constant 1 : i32
      scf.for %scan3A_33 = %scan3A_28 to %scan3A_30 step %scan3A_31  : i32 {
        %mul3A_34 = arith.constant 2 : i32
        %mul3A_35 = arith.muli %scan3A_33, %mul3A_34 : i32
        %add3A_36 = arith.constant 1 : i32
        %add3A_37 = arith.addi %mul3A_35, %add3A_36 : i32
        %dma_start3A_38 = arith.constant 0 : i32
        %dma_start3A_39 = tpu.memref_slice %arg7[%add3A_37, %dma_start3A_38] : memref<40x128xi32, #tpu.memory_space<vmem>> -> memref<1x128xi32, #tpu.memory_space<vmem>>
        %dma_start3A_40 = tpu.memref_squeeze %dma_start3A_39 : memref<1x128xi32, #tpu.memory_space<vmem>> -> memref<128xi32, #tpu.memory_space<vmem>>
        %dma_start3A_41 = arith.constant 0 : i32
        %dma_start3A_42 = arith.constant 0 : i32
        %dma_start3A_43 = tpu.memref_slice %arg2[%dma_start3A_41, %dma_start3A_42] : memref<10000x128xf32, #tpu.memory_space<hbm>> -> memref<10000x128xf32, #tpu.memory_space<hbm>>
        tpu.enqueue_indirect_dma source(%dma_start3A_43 : memref<10000x128xf32, #tpu.memory_space<hbm>>) target(%arg10 : memref<128x128xf32, #tpu.memory_space<vmem>>) offsets(%dma_start3A_40 : memref<128xi32, #tpu.memory_space<vmem>>) semaphore(%arg12 : memref<!tpu.dma_semaphore, #tpu.memory_space<semaphore_mem>>)
        %dma_wait3A = arith.constant 0 : i32
        %dma_wait3A_44 = tpu.memref_slice %arg7[%mul3A_35, %dma_wait3A] : memref<40x128xi32, #tpu.memory_space<vmem>> -> memref<1x128xi32, #tpu.memory_space<vmem>>
        %dma_wait3A_45 = tpu.memref_squeeze %dma_wait3A_44 : memref<1x128xi32, #tpu.memory_space<vmem>> -> memref<128xi32, #tpu.memory_space<vmem>>
        %dma_wait3A_46 = arith.constant 0 : i32
        %dma_wait3A_47 = arith.constant 0 : i32
        %dma_wait3A_48 = tpu.memref_slice %arg2[%dma_wait3A_46, %dma_wait3A_47] : memref<10000x128xf32, #tpu.memory_space<hbm>> -> memref<10000x128xf32, #tpu.memory_space<hbm>>
        tpu.wait_indirect_dma semaphore(%arg12 : memref<!tpu.dma_semaphore, #tpu.memory_space<semaphore_mem>>) src(%dma_wait3A_48 : memref<10000x128xf32, #tpu.memory_space<hbm>>) dst(%arg9 : memref<128x128xf32, #tpu.memory_space<vmem>>)
        "tpu.region"() ({
          %run_scoped3A = tpu.sem_alloc : memref<!tpu.dma_semaphore, #tpu.memory_space<semaphore_mem>>
          %dma_start3A_61 = arith.constant 0 : i32
          %dma_start3A_62 = tpu.memref_slice %arg8[%mul3A_35, %dma_start3A_61] : memref<40x128xi32, #tpu.memory_space<vmem>> -> memref<1x128xi32, #tpu.memory_space<vmem>>
          %dma_start3A_63 = tpu.memref_squeeze %dma_start3A_62 : memref<1x128xi32, #tpu.memory_space<vmem>> -> memref<128xi32, #tpu.memory_space<vmem>>
          %dma_start3A_64 = arith.constant 0 : i32
          %dma_start3A_65 = arith.constant 0 : i32
          %dma_start3A_66 = tpu.memref_slice %arg11[%dma_start3A_64, %dma_start3A_65] : memref<10112x128xf32, #tpu.memory_space<vmem_shared>> -> memref<10112x128xf32, #tpu.memory_space<vmem_shared>>
          tpu.enqueue_indirect_dma source(%arg9 : memref<128x128xf32, #tpu.memory_space<vmem>>) target(%dma_start3A_66 : memref<10112x128xf32, #tpu.memory_space<vmem_shared>>) offsets(%dma_start3A_63 : memref<128xi32, #tpu.memory_space<vmem>>) semaphore(%run_scoped3A : memref<!tpu.dma_semaphore, #tpu.memory_space<semaphore_mem>>) {add = true}
          %dma_wait3A_67 = arith.constant 0 : i32
          %dma_wait3A_68 = tpu.memref_slice %arg8[%mul3A_35, %dma_wait3A_67] : memref<40x128xi32, #tpu.memory_space<vmem>> -> memref<1x128xi32, #tpu.memory_space<vmem>>
          %dma_wait3A_69 = tpu.memref_squeeze %dma_wait3A_68 : memref<1x128xi32, #tpu.memory_space<vmem>> -> memref<128xi32, #tpu.memory_space<vmem>>
          %dma_wait3A_70 = arith.constant 0 : i32
          %dma_wait3A_71 = arith.constant 0 : i32
          %dma_wait3A_72 = tpu.memref_slice %arg11[%dma_wait3A_70, %dma_wait3A_71] : memref<10112x128xf32, #tpu.memory_space<vmem_shared>> -> memref<10112x128xf32, #tpu.memory_space<vmem_shared>>
          tpu.wait_indirect_dma semaphore(%run_scoped3A : memref<!tpu.dma_semaphore, #tpu.memory_space<semaphore_mem>>) src(%arg9 : memref<128x128xf32, #tpu.memory_space<vmem>>) dst(%dma_wait3A_72 : memref<10112x128xf32, #tpu.memory_space<vmem_shared>>)
          tpu.yield
        }) : () -> ()
        %lt3A = arith.constant 19 : i32
        %lt3A_49 = arith.cmpi slt, %scan3A_33, %lt3A : i32
        %convert_element_type3A = arith.extui %lt3A_49 : i1 to i32
        %cond3A = arith.constant 0 : i32
        %cond3A_50 = arith.cmpi ne, %convert_element_type3A, %cond3A : i32
        scf.if %cond3A_50 {
          %add3A_61 = arith.constant 2 : i32
          %add3A_62 = arith.addi %mul3A_35, %add3A_61 : i32
          %dma_start3A_63 = arith.constant 0 : i32
          %dma_start3A_64 = tpu.memref_slice %arg7[%add3A_62, %dma_start3A_63] : memref<40x128xi32, #tpu.memory_space<vmem>> -> memref<1x128xi32, #tpu.memory_space<vmem>>
          %dma_start3A_65 = tpu.memref_squeeze %dma_start3A_64 : memref<1x128xi32, #tpu.memory_space<vmem>> -> memref<128xi32, #tpu.memory_space<vmem>>
          %dma_start3A_66 = arith.constant 0 : i32
          %dma_start3A_67 = arith.constant 0 : i32
          %dma_start3A_68 = tpu.memref_slice %arg2[%dma_start3A_66, %dma_start3A_67] : memref<10000x128xf32, #tpu.memory_space<hbm>> -> memref<10000x128xf32, #tpu.memory_space<hbm>>
          tpu.enqueue_indirect_dma source(%dma_start3A_68 : memref<10000x128xf32, #tpu.memory_space<hbm>>) target(%arg9 : memref<128x128xf32, #tpu.memory_space<vmem>>) offsets(%dma_start3A_65 : memref<128xi32, #tpu.memory_space<vmem>>) semaphore(%arg12 : memref<!tpu.dma_semaphore, #tpu.memory_space<semaphore_mem>>)
        } else {
        }
        %add3A_51 = arith.constant 1 : i32
        %add3A_52 = arith.addi %mul3A_35, %add3A_51 : i32
        %dma_wait3A_53 = arith.constant 0 : i32
        %dma_wait3A_54 = tpu.memref_slice %arg7[%add3A_52, %dma_wait3A_53] : memref<40x128xi32, #tpu.memory_space<vmem>> -> memref<1x128xi32, #tpu.memory_space<vmem>>
        %dma_wait3A_55 = tpu.memref_squeeze %dma_wait3A_54 : memref<1x128xi32, #tpu.memory_space<vmem>> -> memref<128xi32, #tpu.memory_space<vmem>>
        %dma_wait3A_56 = arith.constant 0 : i32
        %dma_wait3A_57 = arith.constant 0 : i32
        %dma_wait3A_58 = tpu.memref_slice %arg2[%dma_wait3A_56, %dma_wait3A_57] : memref<10000x128xf32, #tpu.memory_space<hbm>> -> memref<10000x128xf32, #tpu.memory_space<hbm>>
        tpu.wait_indirect_dma semaphore(%arg12 : memref<!tpu.dma_semaphore, #tpu.memory_space<semaphore_mem>>) src(%dma_wait3A_58 : memref<10000x128xf32, #tpu.memory_space<hbm>>) dst(%arg10 : memref<128x128xf32, #tpu.memory_space<vmem>>)
        %add3A_59 = arith.constant 1 : i32
        %add3A_60 = arith.addi %mul3A_35, %add3A_59 : i32
        "tpu.region"() ({
          %run_scoped3A = tpu.sem_alloc : memref<!tpu.dma_semaphore, #tpu.memory_space<semaphore_mem>>
          %dma_start3A_61 = arith.constant 0 : i32
          %dma_start3A_62 = tpu.memref_slice %arg8[%add3A_60, %dma_start3A_61] : memref<40x128xi32, #tpu.memory_space<vmem>> -> memref<1x128xi32, #tpu.memory_space<vmem>>
          %dma_start3A_63 = tpu.memref_squeeze %dma_start3A_62 : memref<1x128xi32, #tpu.memory_space<vmem>> -> memref<128xi32, #tpu.memory_space<vmem>>
          %dma_start3A_64 = arith.constant 0 : i32
          %dma_start3A_65 = arith.constant 0 : i32
          %dma_start3A_66 = tpu.memref_slice %arg11[%dma_start3A_64, %dma_start3A_65] : memref<10112x128xf32, #tpu.memory_space<vmem_shared>> -> memref<10112x128xf32, #tpu.memory_space<vmem_shared>>
          tpu.enqueue_indirect_dma source(%arg10 : memref<128x128xf32, #tpu.memory_space<vmem>>) target(%dma_start3A_66 : memref<10112x128xf32, #tpu.memory_space<vmem_shared>>) offsets(%dma_start3A_63 : memref<128xi32, #tpu.memory_space<vmem>>) semaphore(%run_scoped3A : memref<!tpu.dma_semaphore, #tpu.memory_space<semaphore_mem>>) {add = true}
          %dma_wait3A_67 = arith.constant 0 : i32
          %dma_wait3A_68 = tpu.memref_slice %arg8[%add3A_60, %dma_wait3A_67] : memref<40x128xi32, #tpu.memory_space<vmem>> -> memref<1x128xi32, #tpu.memory_space<vmem>>
          %dma_wait3A_69 = tpu.memref_squeeze %dma_wait3A_68 : memref<1x128xi32, #tpu.memory_space<vmem>> -> memref<128xi32, #tpu.memory_space<vmem>>
          %dma_wait3A_70 = arith.constant 0 : i32
          %dma_wait3A_71 = arith.constant 0 : i32
          %dma_wait3A_72 = tpu.memref_slice %arg11[%dma_wait3A_70, %dma_wait3A_71] : memref<10112x128xf32, #tpu.memory_space<vmem_shared>> -> memref<10112x128xf32, #tpu.memory_space<vmem_shared>>
          tpu.wait_indirect_dma semaphore(%run_scoped3A : memref<!tpu.dma_semaphore, #tpu.memory_space<semaphore_mem>>) src(%arg10 : memref<128x128xf32, #tpu.memory_space<vmem>>) dst(%dma_wait3A_72 : memref<10112x128xf32, #tpu.memory_space<vmem_shared>>)
          tpu.yield
        }) : () -> ()
      }
      %scan3A_32 = arith.constant 20 : i32
    }
    %scan3A_7 = arith.constant 2 : i32
    %barrier3A_8 = arith.constant 0 : index
    tpu.barrier barrier_id(%barrier3A_8)
    %mul3A_9 = arith.constant 632 : i32
    %mul3A_10 = arith.muli %arg1, %mul3A_9 : i32
    %mul3A_11 = arith.constant 632 : i32
    %mul3A_12 = arith.muli %arg1, %mul3A_11 : i32
    "tpu.region"() ({
      %run_scoped3A = tpu.sem_alloc : memref<!tpu.dma_semaphore, #tpu.memory_space<semaphore_mem>>
      %dma_start3A = arith.constant 0 : i32
      %dma_start3A_13 = tpu.memref_slice %arg6[%arg0, %mul3A_12, %dma_start3A] : memref<2x10112x128xf32, #tpu.memory_space<hbm>> -> memref<1x632x128xf32, #tpu.memory_space<hbm>>
      %dma_start3A_14 = tpu.memref_squeeze %dma_start3A_13 : memref<1x632x128xf32, #tpu.memory_space<hbm>> -> memref<632x128xf32, #tpu.memory_space<hbm>>
      %dma_start3A_15 = arith.constant 0 : i32
      %dma_start3A_16 = tpu.memref_slice %arg11[%mul3A_10, %dma_start3A_15] : memref<10112x128xf32, #tpu.memory_space<vmem_shared>> -> memref<632x128xf32, #tpu.memory_space<vmem_shared>>
      tpu.enqueue_dma source(%dma_start3A_16 : memref<632x128xf32, #tpu.memory_space<vmem_shared>>) target(%dma_start3A_14 : memref<632x128xf32, #tpu.memory_space<hbm>>) target_semaphore(%run_scoped3A : memref<!tpu.dma_semaphore, #tpu.memory_space<semaphore_mem>>)
      %dma_wait3A = arith.constant 0 : i32
      %dma_wait3A_17 = tpu.memref_slice %arg6[%arg0, %mul3A_12, %dma_wait3A] : memref<2x10112x128xf32, #tpu.memory_space<hbm>> -> memref<1x632x128xf32, #tpu.memory_space<hbm>>
      %dma_wait3A_18 = tpu.memref_squeeze %dma_wait3A_17 : memref<1x632x128xf32, #tpu.memory_space<hbm>> -> memref<632x128xf32, #tpu.memory_space<hbm>>
      %dma_wait3A_19 = arith.constant 0 : i32
      %dma_wait3A_20 = tpu.memref_slice %arg11[%mul3A_10, %dma_wait3A_19] : memref<10112x128xf32, #tpu.memory_space<vmem_shared>> -> memref<632x128xf32, #tpu.memory_space<vmem_shared>>
      tpu.wait_dma2 semaphore(%run_scoped3A : memref<!tpu.dma_semaphore, #tpu.memory_space<semaphore_mem>>) src(%dma_wait3A_20 : memref<632x128xf32, #tpu.memory_space<vmem_shared>>) dst(%dma_wait3A_18 : memref<632x128xf32, #tpu.memory_space<hbm>>)
      tpu.yield
    }) : () -> ()
    return
  }
}

module attributes {stable_mosaic.version = 14 : i64} {
  func.func @_stage1_body(%arg0: i32, %arg1: memref<1000x128xf32, #tpu.memory_space<vmem>>, %arg2: memref<128x128xf32, #tpu.memory_space<vmem>>, %arg3: memref<1000x1xf32, #tpu.memory_space<vmem>>, %arg4: memref<1000x1xf32, #tpu.memory_space<vmem>>, %arg5: memref<1000x128xf32, #tpu.memory_space<vmem>>, %arg6: memref<1000x1xf32, #tpu.memory_space<vmem>>) attributes {dimension_semantics = [#tpu.dimension_semantics<arbitrary>], iteration_bounds = array<i64: 10>, scalar_prefetch = 0 : i64, scratch_operands = 0 : i64, tpu.core_type = #tpu.core_type<tc>, window_params = [{transform_indices = @transform_0, window_bounds = array<i64: 1000, 128>}, {pipeline_mode = #tpu.pipeline_mode<synchronous>, transform_indices = @transform_1, window_bounds = array<i64: 128, 128>}, {transform_indices = @transform_2, window_bounds = array<i64: 1000, 1>}, {transform_indices = @transform_3, window_bounds = array<i64: 1000, 1>}, {transform_indices = @transform_4, window_bounds = array<i64: 1000, 128>}, {transform_indices = @transform_5, window_bounds = array<i64: 1000, 1>}]} {
    %get3A = arith.constant 0 : index
    %get3A_0 = arith.constant 0 : index
    %get3A_1 = vector.load %arg3[%get3A, %get3A_0] : memref<1000x1xf32, #tpu.memory_space<vmem>>, vector<1000x1xf32>
    %get3A_2 = arith.constant 0 : index
    %get3A_3 = arith.constant 0 : index
    %get3A_4 = vector.load %arg4[%get3A_2, %get3A_3] : memref<1000x1xf32, #tpu.memory_space<vmem>>, vector<1000x1xf32>
    %add3A = arith.addf %get3A_1, %get3A_4 : vector<1000x1xf32>
    %add3A_5 = arith.constant 1.000000e+00 : f32
    %add3A_6 = vector.broadcast %add3A_5 : f32 to vector<1000x1xf32>
    %add3A_7 = arith.addf %add3A, %add3A_6 : vector<1000x1xf32>
    %rsqrt3A = math.rsqrt %add3A_7 : vector<1000x1xf32>
    %swap3A = arith.constant 0 : index
    %swap3A_8 = arith.constant 0 : index
    %swap3A_9 = vector.load %arg6[%swap3A, %swap3A_8] : memref<1000x1xf32, #tpu.memory_space<vmem>>, vector<1000x1xf32>
    tpu.vector_store %arg6[%swap3A, %swap3A_8], %rsqrt3A {strides = array<i32>} : memref<1000x1xf32, #tpu.memory_space<vmem>>, vector<1000x1xf32>,
    %get3A_10 = arith.constant 0 : index
    %get3A_11 = arith.constant 0 : index
    %get3A_12 = vector.load %arg1[%get3A_10, %get3A_11] : memref<1000x128xf32, #tpu.memory_space<vmem>>, vector<1000x128xf32>
    %get3A_13 = arith.constant 0 : index
    %get3A_14 = arith.constant 0 : index
    %get3A_15 = vector.load %arg2[%get3A_13, %get3A_14] : memref<128x128xf32, #tpu.memory_space<vmem>>, vector<128x128xf32>
    %dot_general3A = arith.constant dense<0.000000e+00> : vector<1000x128xf32>
    %dot_general3A_16 = tpu.matmul %get3A_12, %get3A_15, %dot_general3A {dimension_numbers = #tpu.dot_dimension_numbers<[1], [0], [0], [1], [0, 0, 1, 1], [], []>, transpose_lhs_hint = false} : vector<1000x128xf32>, vector<128x128xf32>, vector<1000x128xf32> -> vector<1000x128xf32>
    %mul3A = vector.broadcast %rsqrt3A : vector<1000x1xf32> to vector<1000x128xf32>
    %mul3A_17 = arith.mulf %mul3A, %dot_general3A_16 : vector<1000x128xf32>
    %swap3A_18 = arith.constant 0 : index
    %swap3A_19 = arith.constant 0 : index
    %swap3A_20 = vector.load %arg5[%swap3A_18, %swap3A_19] : memref<1000x128xf32, #tpu.memory_space<vmem>>, vector<1000x128xf32>
    tpu.vector_store %arg5[%swap3A_18, %swap3A_19], %mul3A_17 {strides = array<i32>} : memref<1000x128xf32, #tpu.memory_space<vmem>>, vector<1000x128xf32>,
    return
  }
  func.func @transform_0(%arg0: i32) -> (i32, i32) {
    %c0_i32 = arith.constant 0 : i32
    %c0_i32_0 = arith.constant 0 : i32
    return %arg0, %c0_i32 : i32, i32
  }
  func.func @transform_1(%arg0: i32) -> (i32, i32) {
    %c0_i32 = arith.constant 0 : i32
    %c0_i32_0 = arith.constant 0 : i32
    %c0_i32_1 = arith.constant 0 : i32
    return %c0_i32, %c0_i32_0 : i32, i32
  }
  func.func @transform_2(%arg0: i32) -> (i32, i32) {
    %c0_i32 = arith.constant 0 : i32
    %c0_i32_0 = arith.constant 0 : i32
    return %arg0, %c0_i32 : i32, i32
  }
  func.func @transform_3(%arg0: i32) -> (i32, i32) {
    %c0_i32 = arith.constant 0 : i32
    %c0_i32_0 = arith.constant 0 : i32
    return %arg0, %c0_i32 : i32, i32
  }
  func.func @transform_4(%arg0: i32) -> (i32, i32) {
    %c0_i32 = arith.constant 0 : i32
    %c0_i32_0 = arith.constant 0 : i32
    return %arg0, %c0_i32 : i32, i32
  }
  func.func @transform_5(%arg0: i32) -> (i32, i32) {
    %c0_i32 = arith.constant 0 : i32
    %c0_i32_0 = arith.constant 0 : i32
    return %arg0, %c0_i32 : i32, i32
  }
}

module attributes {stable_mosaic.version = 14 : i64} {
  func.func @_stage2_body(%arg0: i32, %arg1: memref<1000x128xf32, #tpu.memory_space<vmem>>, %arg2: memref<1000x128xf32, #tpu.memory_space<vmem>>, %arg3: memref<1000x128xf32, #tpu.memory_space<vmem>>, %arg4: memref<1000x1xf32, #tpu.memory_space<vmem>>, %arg5: memref<1x128xf32, #tpu.memory_space<vmem>>, %arg6: memref<128x128xf32, #tpu.memory_space<vmem>>, %arg7: memref<1000x128xf32, #tpu.memory_space<vmem>>, %arg8: memref<1000x128xf32, #tpu.memory_space<vmem>>) attributes {dimension_semantics = [#tpu.dimension_semantics<arbitrary>], iteration_bounds = array<i64: 10>, scalar_prefetch = 0 : i64, scratch_operands = 0 : i64, tpu.core_type = #tpu.core_type<tc>, window_params = [{transform_indices = @transform_0, window_bounds = array<i64: 1000, 128>}, {transform_indices = @transform_1, window_bounds = array<i64: 1000, 128>}, {transform_indices = @transform_2, window_bounds = array<i64: 1000, 128>}, {transform_indices = @transform_3, window_bounds = array<i64: 1000, 1>}, {pipeline_mode = #tpu.pipeline_mode<synchronous>, transform_indices = @transform_4, window_bounds = array<i64: 1, 128>}, {pipeline_mode = #tpu.pipeline_mode<synchronous>, transform_indices = @transform_5, window_bounds = array<i64: 128, 128>}, {transform_indices = @transform_6, window_bounds = array<i64: 1000, 128>}, {transform_indices = @transform_7, window_bounds = array<i64: 1000, 128>}]} {
    %get3A = arith.constant 0 : index
    %get3A_0 = arith.constant 0 : index
    %get3A_1 = vector.load %arg4[%get3A, %get3A_0] : memref<1000x1xf32, #tpu.memory_space<vmem>>, vector<1000x1xf32>
    %get3A_2 = arith.constant 0 : index
    %get3A_3 = arith.constant 0 : index
    %get3A_4 = vector.load %arg1[%get3A_2, %get3A_3] : memref<1000x128xf32, #tpu.memory_space<vmem>>, vector<1000x128xf32>
    %get3A_5 = arith.constant 0 : index
    %get3A_6 = arith.constant 0 : index
    %get3A_7 = vector.load %arg2[%get3A_5, %get3A_6] : memref<1000x128xf32, #tpu.memory_space<vmem>>, vector<1000x128xf32>
    %add3A = arith.addf %get3A_4, %get3A_7 : vector<1000x128xf32>
    %get3A_8 = arith.constant 0 : index
    %get3A_9 = arith.constant 0 : index
    %get3A_10 = vector.load %arg3[%get3A_8, %get3A_9] : memref<1000x128xf32, #tpu.memory_space<vmem>>, vector<1000x128xf32>
    %add3A_11 = arith.addf %add3A, %get3A_10 : vector<1000x128xf32>
    %mul3A = vector.broadcast %get3A_1 : vector<1000x1xf32> to vector<1000x128xf32>
    %mul3A_12 = arith.mulf %mul3A, %add3A_11 : vector<1000x128xf32>
    %get3A_13 = arith.constant 0 : index
    %get3A_14 = arith.constant 0 : index
    %get3A_15 = vector.load %arg5[%get3A_13, %get3A_14] : memref<1x128xf32, #tpu.memory_space<vmem>>, vector<1x128xf32>
    %add3A_16 = vector.broadcast %get3A_15 : vector<1x128xf32> to vector<1000x128xf32>
    %add3A_17 = arith.addf %mul3A_12, %add3A_16 : vector<1000x128xf32>
    %max3A = arith.constant 0.000000e+00 : f32
    %max3A_18 = vector.broadcast %max3A : f32 to vector<1000x128xf32>
    %max3A_19 = arith.maximumf %add3A_17, %max3A_18 : vector<1000x128xf32>
    %swap3A = arith.constant 0 : index
    %swap3A_20 = arith.constant 0 : index
    %swap3A_21 = vector.load %arg7[%swap3A, %swap3A_20] : memref<1000x128xf32, #tpu.memory_space<vmem>>, vector<1000x128xf32>
    tpu.vector_store %arg7[%swap3A, %swap3A_20], %max3A_19 {strides = array<i32>} : memref<1000x128xf32, #tpu.memory_space<vmem>>, vector<1000x128xf32>,
    %get3A_22 = arith.constant 0 : index
    %get3A_23 = arith.constant 0 : index
    %get3A_24 = vector.load %arg6[%get3A_22, %get3A_23] : memref<128x128xf32, #tpu.memory_space<vmem>>, vector<128x128xf32>
    %dot_general3A = arith.constant dense<0.000000e+00> : vector<1000x128xf32>
    %dot_general3A_25 = tpu.matmul %max3A_19, %get3A_24, %dot_general3A {dimension_numbers = #tpu.dot_dimension_numbers<[1], [0], [0], [1], [0, 0, 1, 1], [], []>, transpose_lhs_hint = false} : vector<1000x128xf32>, vector<128x128xf32>, vector<1000x128xf32> -> vector<1000x128xf32>
    %mul3A_26 = vector.broadcast %get3A_1 : vector<1000x1xf32> to vector<1000x128xf32>
    %mul3A_27 = arith.mulf %mul3A_26, %dot_general3A_25 : vector<1000x128xf32>
    %swap3A_28 = arith.constant 0 : index
    %swap3A_29 = arith.constant 0 : index
    %swap3A_30 = vector.load %arg8[%swap3A_28, %swap3A_29] : memref<1000x128xf32, #tpu.memory_space<vmem>>, vector<1000x128xf32>
    tpu.vector_store %arg8[%swap3A_28, %swap3A_29], %mul3A_27 {strides = array<i32>} : memref<1000x128xf32, #tpu.memory_space<vmem>>, vector<1000x128xf32>,
    return
  }
  func.func @transform_0(%arg0: i32) -> (i32, i32) {
    %c0_i32 = arith.constant 0 : i32
    %c0_i32_0 = arith.constant 0 : i32
    return %arg0, %c0_i32 : i32, i32
  }
  func.func @transform_1(%arg0: i32) -> (i32, i32) {
    %c0_i32 = arith.constant 0 : i32
    %c0_i32_0 = arith.constant 0 : i32
    return %arg0, %c0_i32 : i32, i32
  }
  func.func @transform_2(%arg0: i32) -> (i32, i32) {
    %c0_i32 = arith.constant 0 : i32
    %c0_i32_0 = arith.constant 0 : i32
    return %arg0, %c0_i32 : i32, i32
  }
  func.func @transform_3(%arg0: i32) -> (i32, i32) {
    %c0_i32 = arith.constant 0 : i32
    %c0_i32_0 = arith.constant 0 : i32
    return %arg0, %c0_i32 : i32, i32
  }
  func.func @transform_4(%arg0: i32) -> (i32, i32) {
    %c0_i32 = arith.constant 0 : i32
    %c0_i32_0 = arith.constant 0 : i32
    %c0_i32_1 = arith.constant 0 : i32
    return %c0_i32, %c0_i32_0 : i32, i32
  }
  func.func @transform_5(%arg0: i32) -> (i32, i32) {
    %c0_i32 = arith.constant 0 : i32
    %c0_i32_0 = arith.constant 0 : i32
    %c0_i32_1 = arith.constant 0 : i32
    return %c0_i32, %c0_i32_0 : i32, i32
  }
  func.func @transform_6(%arg0: i32) -> (i32, i32) {
    %c0_i32 = arith.constant 0 : i32
    %c0_i32_0 = arith.constant 0 : i32
    return %arg0, %c0_i32 : i32, i32
  }
  func.func @transform_7(%arg0: i32) -> (i32, i32) {
    %c0_i32 = arith.constant 0 : i32
    %c0_i32_0 = arith.constant 0 : i32
    return %arg0, %c0_i32 : i32, i32
  }
}

module attributes {stable_mosaic.version = 14 : i64} {
  func.func @_stage3_body(%arg0: i32, %arg1: memref<1000x128xf32, #tpu.memory_space<vmem>>, %arg2: memref<1000x128xf32, #tpu.memory_space<vmem>>, %arg3: memref<1000x128xf32, #tpu.memory_space<vmem>>, %arg4: memref<1000x1xf32, #tpu.memory_space<vmem>>, %arg5: memref<1x128xf32, #tpu.memory_space<vmem>>, %arg6: memref<1000x128xf32, #tpu.memory_space<vmem>>, %arg7: memref<128x40xf32, #tpu.memory_space<vmem>>, %arg8: memref<1x40xf32, #tpu.memory_space<vmem>>, %arg9: memref<1000x40xf32, #tpu.memory_space<vmem>>) attributes {dimension_semantics = [#tpu.dimension_semantics<arbitrary>], iteration_bounds = array<i64: 10>, scalar_prefetch = 0 : i64, scratch_operands = 0 : i64, tpu.core_type = #tpu.core_type<tc>, window_params = [{transform_indices = @transform_0, window_bounds = array<i64: 1000, 128>}, {transform_indices = @transform_1, window_bounds = array<i64: 1000, 128>}, {transform_indices = @transform_2, window_bounds = array<i64: 1000, 128>}, {transform_indices = @transform_3, window_bounds = array<i64: 1000, 1>}, {pipeline_mode = #tpu.pipeline_mode<synchronous>, transform_indices = @transform_4, window_bounds = array<i64: 1, 128>}, {transform_indices = @transform_5, window_bounds = array<i64: 1000, 128>}, {pipeline_mode = #tpu.pipeline_mode<synchronous>, transform_indices = @transform_6, window_bounds = array<i64: 128, 40>}, {pipeline_mode = #tpu.pipeline_mode<synchronous>, transform_indices = @transform_7, window_bounds = array<i64: 1, 40>}, {transform_indices = @transform_8, window_bounds = array<i64: 1000, 40>}]} {
    %get3A = arith.constant 0 : index
    %get3A_0 = arith.constant 0 : index
    %get3A_1 = vector.load %arg4[%get3A, %get3A_0] : memref<1000x1xf32, #tpu.memory_space<vmem>>, vector<1000x1xf32>
    %get3A_2 = arith.constant 0 : index
    %get3A_3 = arith.constant 0 : index
    %get3A_4 = vector.load %arg1[%get3A_2, %get3A_3] : memref<1000x128xf32, #tpu.memory_space<vmem>>, vector<1000x128xf32>
    %get3A_5 = arith.constant 0 : index
    %get3A_6 = arith.constant 0 : index
    %get3A_7 = vector.load %arg2[%get3A_5, %get3A_6] : memref<1000x128xf32, #tpu.memory_space<vmem>>, vector<1000x128xf32>
    %add3A = arith.addf %get3A_4, %get3A_7 : vector<1000x128xf32>
    %get3A_8 = arith.constant 0 : index
    %get3A_9 = arith.constant 0 : index
    %get3A_10 = vector.load %arg3[%get3A_8, %get3A_9] : memref<1000x128xf32, #tpu.memory_space<vmem>>, vector<1000x128xf32>
    %add3A_11 = arith.addf %add3A, %get3A_10 : vector<1000x128xf32>
    %mul3A = vector.broadcast %get3A_1 : vector<1000x1xf32> to vector<1000x128xf32>
    %mul3A_12 = arith.mulf %mul3A, %add3A_11 : vector<1000x128xf32>
    %get3A_13 = arith.constant 0 : index
    %get3A_14 = arith.constant 0 : index
    %get3A_15 = vector.load %arg5[%get3A_13, %get3A_14] : memref<1x128xf32, #tpu.memory_space<vmem>>, vector<1x128xf32>
    %add3A_16 = vector.broadcast %get3A_15 : vector<1x128xf32> to vector<1000x128xf32>
    %add3A_17 = arith.addf %mul3A_12, %add3A_16 : vector<1000x128xf32>
    %max3A = arith.constant 0.000000e+00 : f32
    %max3A_18 = vector.broadcast %max3A : f32 to vector<1000x128xf32>
    %max3A_19 = arith.maximumf %add3A_17, %max3A_18 : vector<1000x128xf32>
    %get3A_20 = arith.constant 0 : index
    %get3A_21 = arith.constant 0 : index
    %get3A_22 = vector.load %arg6[%get3A_20, %get3A_21] : memref<1000x128xf32, #tpu.memory_space<vmem>>, vector<1000x128xf32>
    %max3A_23 = arith.maximumf %get3A_22, %max3A_19 : vector<1000x128xf32>
    %get3A_24 = arith.constant 0 : index
    %get3A_25 = arith.constant 0 : index
    %get3A_26 = vector.load %arg7[%get3A_24, %get3A_25] : memref<128x40xf32, #tpu.memory_space<vmem>>, vector<128x40xf32>
    %dot_general3A = arith.constant dense<0.000000e+00> : vector<1000x40xf32>
    %dot_general3A_27 = tpu.matmul %max3A_23, %get3A_26, %dot_general3A {dimension_numbers = #tpu.dot_dimension_numbers<[1], [0], [0], [1], [0, 0, 1, 1], [], []>, transpose_lhs_hint = false} : vector<1000x128xf32>, vector<128x40xf32>, vector<1000x40xf32> -> vector<1000x40xf32>
    %get3A_28 = arith.constant 0 : index
    %get3A_29 = arith.constant 0 : index
    %get3A_30 = vector.load %arg8[%get3A_28, %get3A_29] : memref<1x40xf32, #tpu.memory_space<vmem>>, vector<1x40xf32>
    %add3A_31 = vector.broadcast %get3A_30 : vector<1x40xf32> to vector<1000x40xf32>
    %add3A_32 = arith.addf %dot_general3A_27, %add3A_31 : vector<1000x40xf32>
    %reduce_max3A = arith.constant dense<0xFF800000> : vector<1000xf32>
    %reduce_max3A_33 = vector.multi_reduction <maximumf>, %add3A_32, %reduce_max3A [1] : vector<1000x40xf32> to vector<1000xf32>
    %broadcast_in_dim3A = vector.shape_cast %reduce_max3A_33 : vector<1000xf32> to vector<1000x1xf32>
    %sub3A = vector.broadcast %broadcast_in_dim3A : vector<1000x1xf32> to vector<1000x40xf32>
    %sub3A_34 = arith.subf %add3A_32, %sub3A : vector<1000x40xf32>
    %exp3A = math.exp %sub3A_34 : vector<1000x40xf32>
    %reduce_sum3A = arith.constant dense<0.000000e+00> : vector<1000xf32>
    %reduce_sum3A_35 = vector.multi_reduction <add>, %exp3A, %reduce_sum3A [1] : vector<1000x40xf32> to vector<1000xf32>
    %broadcast_in_dim3A_36 = vector.shape_cast %reduce_sum3A_35 : vector<1000xf32> to vector<1000x1xf32>
    %log3A = math.log %broadcast_in_dim3A_36 : vector<1000x1xf32>
    %sub3A_37 = vector.broadcast %broadcast_in_dim3A : vector<1000x1xf32> to vector<1000x40xf32>
    %sub3A_38 = arith.subf %add3A_32, %sub3A_37 : vector<1000x40xf32>
    %sub3A_39 = vector.broadcast %log3A : vector<1000x1xf32> to vector<1000x40xf32>
    %sub3A_40 = arith.subf %sub3A_38, %sub3A_39 : vector<1000x40xf32>
    %swap3A = arith.constant 0 : index
    %swap3A_41 = arith.constant 0 : index
    %swap3A_42 = vector.load %arg9[%swap3A, %swap3A_41] : memref<1000x40xf32, #tpu.memory_space<vmem>>, vector<1000x40xf32>
    tpu.vector_store %arg9[%swap3A, %swap3A_41], %sub3A_40 {strides = array<i32>} : memref<1000x40xf32, #tpu.memory_space<vmem>>, vector<1000x40xf32>,
    return
  }
  func.func @transform_0(%arg0: i32) -> (i32, i32) {
    %c0_i32 = arith.constant 0 : i32
    %c0_i32_0 = arith.constant 0 : i32
    return %arg0, %c0_i32 : i32, i32
  }
  func.func @transform_1(%arg0: i32) -> (i32, i32) {
    %c0_i32 = arith.constant 0 : i32
    %c0_i32_0 = arith.constant 0 : i32
    return %arg0, %c0_i32 : i32, i32
  }
  func.func @transform_2(%arg0: i32) -> (i32, i32) {
    %c0_i32 = arith.constant 0 : i32
    %c0_i32_0 = arith.constant 0 : i32
    return %arg0, %c0_i32 : i32, i32
  }
  func.func @transform_3(%arg0: i32) -> (i32, i32) {
    %c0_i32 = arith.constant 0 : i32
    %c0_i32_0 = arith.constant 0 : i32
    return %arg0, %c0_i32 : i32, i32
  }
  func.func @transform_4(%arg0: i32) -> (i32, i32) {
    %c0_i32 = arith.constant 0 : i32
    %c0_i32_0 = arith.constant 0 : i32
    %c0_i32_1 = arith.constant 0 : i32
    return %c0_i32, %c0_i32_0 : i32, i32
  }
  func.func @transform_5(%arg0: i32) -> (i32, i32) {
    %c0_i32 = arith.constant 0 : i32
    %c0_i32_0 = arith.constant 0 : i32
    return %arg0, %c0_i32 : i32, i32
  }
  func.func @transform_6(%arg0: i32) -> (i32, i32) {
    %c0_i32 = arith.constant 0 : i32
    %c0_i32_0 = arith.constant 0 : i32
    %c0_i32_1 = arith.constant 0 : i32
    return %c0_i32, %c0_i32_0 : i32, i32
  }
  func.func @transform_7(%arg0: i32) -> (i32, i32) {
    %c0_i32 = arith.constant 0 : i32
    %c0_i32_0 = arith.constant 0 : i32
    %c0_i32_1 = arith.constant 0 : i32
    return %c0_i32, %c0_i32_0 : i32, i32
  }
  func.func @transform_8(%arg0: i32) -> (i32, i32) {
    %c0_i32 = arith.constant 0 : i32
    %c0_i32_0 = arith.constant 0 : i32
    return %arg0, %c0_i32 : i32, i32
  }
}

</mosaic_0001>

<sc_bundles>
// kernel: kernel.11.cloned.1.call-start
scs
__scs_entry_jumppad:
0x0: {  	(pc) =	sbr.rel $0x88, $3  }
0x1: {  	(tag) =	ssettag $0x0;
	lr =	simm.s32 $0x1  }
0x2: {  	[smem:$0x3F99] =	sst lr;
	_ =	strace $0xD0000000  }
0x3: {  	_ = 	snop  }
0x4: {  	_ = 	snop  }
0x5: {  	_ = 	snop  }
0x6: {  	_ = 	snop  }
0x7: {  	_ = 	snop  }
__scs_overlays_trampoline_lowered:
0x8: {  	[smem:$0x3FA8] =	sst s0  }
0x9: {  	[smem:$0x3FA9] =	sst s1  }
0xa: {  	[smem:$0x3FAA] =	sst s2  }
0xb: {  	[smem:$0x3FAB] =	sst s3  }
0xc: {  	[smem:$0x3FAC] =	sst s4  }
0xd: {  	[smem:$0x3FAD] =	sst s5  }
0xe: {  	[smem:$0x3FAE] =	sst s6  }
0xf: {  	[smem:$0x3FAF] =	sst s7  }
0x10: {  	[smem:$0x3FB0] =	sst s8  }
0x11: {  	[smem:$0x3FB1] =	sst s9;
	s0 =	simm.s32 @!p0 $0x0  }
0x12: {  	s1 =	sld [smem:$0x3F97];
	s0 =	simm.s32 @p0 $0x1  }
0x13: {  	[smem:$0x3FB2] =	sst s0;
	s0 =	simm.s32 @!p1 $0x0  }
0x14: {  	s2 =	sld [smem:$0x3F96];
	s0 =	simm.s32 @p1 $0x1  }
0x15: {  	[smem:$0x3FB3] =	sst s0;
	s0 =	simm.s32 @!p2 $0x0  }
0x16: {  	s3 =	sld [smem:$0x3FDB];
	s0 =	simm.s32 @p2 $0x1  }
0x17: {  	s4 =	simm.s32 $0x1BF5;
	[smem:$0x3FB5] =	sst s0  }
0x18: {  	s0 =	sld [smem:$0x3F98];
	_ =	swait.ge [sflag:s4], $0x0  }
0x19: {  	s7 =	sld [smem:$0x3F99]  }
0x1a: {  	s8 =	sadd.s32 $0xFFFFE003, lr  }
0x1b: {  	s9 =	sadd.s32 $0xFFFFFEF7, lr;
	s5 =	simm.s32 $0xFFFFFFFF;
	p2 =	slt.u32 s8, $0xFFFFF086  }
0x1c: {  	p1 =	slt.u32 s9, $0xF7A;
	s5 =	simm.s32 @!p2 $0x0  }
0x1d: {  	s5 =	simm.s32 @p1 $0x1;
	p0 =	seq.s32 s7, s2  }
0x1e: {  	s7 =	smul.u32 @!p0 $0xF7A, s2;
	p2 =	seq.s32 @!p0 s5, $0x0  }
0x1f: {  	s9 =	smul.u32 $0xF7A, s1;
	s8 =	simm.s32 @!p0 $0x1BF5;
	p2 =	por !p2, p0  }
0x20: {  	[sflag:s8] =	ssyncset.s32 @!p0 $0xFFFFF086;
	s6 =	sadd.s32 @!p0 s3, s7;
	s7 =	simm.s32 @!p0 $0x108  }
0x21: {  	s3 =	sadd.s32 s3, s9;
	s6 =	sadd.s32 @!p0 $0x88, s6;
	s7 =	simm.s32 @p2 $0x1082  }
0x22: {  	[simem:s7], [sflag:s8] =	dma.local @!p0 [hbm:s6], $0xF7A  }
0x23: {  	s9 =	sor.u32 $0xD0000000, s2;
	s6 =	simm.s32 $0x108;
	_ =	swait.ge @!p0 [sflag:s8], $0x0  }
0x24: {  	s3 =	sadd.s32 $0x88, s3;
	s6 =	simm.s32 @!p1 $0x1082;
	[sflag:s4] =	ssyncset.s32 $0xFFFFF086  }
0x25: {  	[simem:s6], [sflag:s4] =	dma.local [hbm:s3], $0xF7A  }
0x26: {  	[smem:$0x3F99] =	sst s1;
	(tag) =	ssettag s2;
	_ =	strace s9  }
0x27: {  	s1 =	sld [smem:$0x3FA9]  }
0x28: {  	s2 =	sld [smem:$0x3FAA]  }
0x29: {  	s4 =	sld [smem:$0x3FAC]  }
0x2a: {  	p0 =	seq.s32 s5, $0x0;
	s5 =	sld [smem:$0x3FAD]  }
0x2b: {  	s6 =	sld [smem:$0x3FAE]  }
0x2c: {  	s7 =	sld [smem:$0x3FAF]  }
0x2d: {  	s3 =	simm.s32 $0x108;
	s8 =	sld [smem:$0x3FB0]  }
0x2e: {  	s3 =	simm.s32 @!p0 $0x1082;
	s9 =	sld [smem:$0x3FB1]  }
0x2f: {  	lr =	sadd.s32 s0, s3;
	s0 =	sld [smem:$0x3FA8]  }
0x30: {  	s3 =	sld [smem:$0x3FAB]  }
0x31: {  	[smem:$0x3FB4] =	sst s10  }
0x32: {  	s10 =	sld [smem:$0x3FB2];
	_ =	sdelay $0x3  }
0x33: {  	p0 =	seq.s32 s10, $0x1;
	s10 =	sld [smem:$0x3FB4];
	_ =	sdelay $0x3  }
0x34: {  	[smem:$0x3FB4] =	sst s10  }
0x35: {  	s10 =	sld [smem:$0x3FB3];
	_ =	sdelay $0x3  }
0x36: {  	p1 =	seq.s32 s10, $0x1;
	s10 =	sld [smem:$0x3FB4];
	_ =	sdelay $0x3  }
0x37: {  	[smem:$0x3FB4] =	sst s10  }
0x38: {  	s10 =	sld [smem:$0x3FB5]  }
0x39: {  	_ = 	snop;
	(pc) =	sbr.ind lr, $3  }
0x3a: {  	_ = 	snop  }
0x3b: {  	_ = 	snop  }
0x3c: {  	p2 =	seq.s32 s10, $0x1;
	s10 =	sld [smem:$0x3FB4]  }
0x3d: {  	_ =	shalt  }
0x3e: {  	_ =	shalt  }
0x3f: {  	_ =	shalt  }
0x40: {  	_ =	shalt  }
0x41: {  	_ =	shalt  }
0x42: {  	_ =	shalt  }
0x43: {  	_ =	shalt  }
0x44: {  	_ =	shalt  }
0x45: {  	_ =	shalt  }
0x46: {  	_ =	shalt  }
0x47: {  	_ =	shalt  }
0x48: {  	_ =	shalt  }
0x49: {  	_ =	shalt  }
0x4a: {  	_ =	shalt  }
0x4b: {  	_ =	shalt  }
0x4c: {  	_ =	shalt  }
0x4d: {  	_ =	shalt  }
0x4e: {  	_ =	shalt  }
0x4f: {  	_ =	shalt  }
0x50: {  	_ =	shalt  }
0x51: {  	_ =	shalt  }
0x52: {  	_ =	shalt  }
0x53: {  	_ =	shalt  }
0x54: {  	_ =	shalt  }
0x55: {  	_ =	shalt  }
0x56: {  	_ =	shalt  }
0x57: {  	_ =	shalt  }
0x58: {  	_ =	shalt  }
0x59: {  	_ =	shalt  }
0x5a: {  	_ =	shalt  }
0x5b: {  	_ =	shalt  }
0x5c: {  	_ =	shalt  }
0x5d: {  	_ =	shalt  }
0x5e: {  	_ =	shalt  }
0x5f: {  	_ =	shalt  }
0x60: {  	_ =	shalt  }
0x61: {  	_ =	shalt  }
0x62: {  	_ =	shalt  }
0x63: {  	_ =	shalt  }
0x64: {  	_ =	shalt  }
0x65: {  	_ =	shalt  }
0x66: {  	_ =	shalt  }
0x67: {  	_ =	shalt  }
0x68: {  	_ =	shalt  }
0x69: {  	_ =	shalt  }
0x6a: {  	_ =	shalt  }
0x6b: {  	_ =	shalt  }
0x6c: {  	_ =	shalt  }
0x6d: {  	_ =	shalt  }
0x6e: {  	_ =	shalt  }
0x6f: {  	_ =	shalt  }
0x70: {  	_ =	shalt  }
0x71: {  	_ =	shalt  }
0x72: {  	_ =	shalt  }
0x73: {  	_ =	shalt  }
0x74: {  	_ =	shalt  }
0x75: {  	_ =	shalt  }
0x76: {  	_ =	shalt  }
0x77: {  	_ =	shalt  }
0x78: {  	_ =	shalt  }
0x79: {  	_ =	shalt  }
0x7a: {  	_ =	shalt  }
0x7b: {  	_ =	shalt  }
0x7c: {  	_ =	shalt  }
0x7d: {  	_ =	shalt  }
0x7e: {  	_ =	shalt  }
0x7f: {  	_ =	shalt  }
0x80: {  	_ =	shalt  }
0x81: {  	_ =	shalt  }
0x82: {  	_ =	shalt  }
0x83: {  	_ =	shalt  }
0x84: {  	_ =	shalt  }
0x85: {  	_ =	shalt  }
0x86: {  	_ =	shalt  }
0x87: {  	_ =	shalt  }
.Lfunc_end0:
.L_simem_size_0:
called_computation.1_lowered:
.L_overlay_start_0:
0x88: {  	s2 =	sld [smem:$0x3FD9]  }
0x89: {  	s3 =	sld [smem:$0x3FFE];
	_ =	sdelay $0x1  }
0x8a: {  	s1 =	srdreg.scid  }
0x8b: {  	s0 =	sand.u32 $0x1, s1  }
0x8c: {  	s17 =	sshll.u32 s0, $0xA;
	s2 =	sadd.s32 s3, s2  }
0x8d: {  	s2 =	sadd.s32 s2, s17  }
0x8e: {  	[smem:$0x3FC0] =	sst s2  }
0x8f: {  	_ = 	snop  }
0x90: {  	s2 =	sld [smem:$0x3FD0];
	(tm) =	ssettm $0x1  }
0x91: {  	s18 =	sld [smem:$0x3FFB];
	_ =	sdelay $0x3  }
0x92: {  	_ =	strace s18  }
0x93: {  	s3 =	sld [smem:$0x3FFC];
	_ =	sdelay $0x3  }
0x94: {  	_ =	strace s3  }
0x95: {  	s3 =	sld [smem:$0x3FFD];
	_ =	sdelay $0x3  }
0x96: {  	_ =	strace s3  }
0x97: {  	_ =	strace $0x8FFFFFFF  }
0x98: {  	s19 =	sld [smem:$0x3FDB];
	_ =	sdelay $0x1  }
0x99: {  	s4 =	simm.s32 $_scs_section_size  }
0x9a: {  	s5 =	simm.s32 $_size__tile_overlayer_lowered;
	s6 =	simm.s32 $_tile_overlayer_lowered  }
0x9b: {  	s22 =	simm.s32 $0x1BFF;
	s21 =	sshll.u32 s6, $0x1;
	s3 =	sadd.s32 s4, s19  }
0x9c: {  	s7 =	simm.s32 $0x0;
	s20 =	sshll.u32 s5, $0x1;
	s5 =	sadd.s32 s21, s3  }
0x9d: {  	[timem:s7], [sflag:s22] =	dma.local [hbm:s5], s20  }
0x9e: {  	_ =	swait.ge [sflag:s22], s20  }
0x9f: {  	s4 =	ssub.s32 $0x0, s20;
	[sflag:s22] =	ssyncset.done $0x0  }
0xa0: {  	[sflag:s22] =	ssyncadd.s32 s4;
	_ =	sdelay $0x1  }
0xa1: {  	s23 =	simm.s32 $0x1B8B  }
0xa2: {  	_ =	swait.ge [sflag:s23], $0x1  }
0xa3: {  	[sflag:s23] =	ssyncset.done $0x0  }
0xa4: {  	s25 =	simm.s32 $0x1B8E;
	s24 =	sld [smem:$0x3FFE];
	[sflag:s23] =	ssyncadd.s32 $0xFFFFFFFF  }
0xa5: {  	s26 =	simm.s32 $execute0_lowered;
	[smem:$0x3FD2] =	sst s25  }
0xa6: {  	s5 =	sshll.u32 s26, $0x1;
	_ =	strace $0x80000049;
	[dreg:$0x1] =	wrdreg $0xFFFFFFFF  }
0xa7: {  	s28 =	simm.s32 $_size_execute0_lowered;
	s3 =	sadd.s32 s3, s5;
	[dreg:$0x0] =	wrdreg $0x0  }
0xa8: {  	s5 =	sshll.u32 s28, $0x1;
	[dreg:$0x2] =	wrdreg s3  }
0xa9: {  	[dreg:$0x3] =	wrdreg s5  }
0xaa: {  	[dreg:$0x4] =	wrdreg $0xC0  }
0xab: {  	_ =	task [dreg:s7], $0x5FFFF  }
0xac: {  	[dreg:$0x1] =	wrdreg $0xFFFFFFFF  }
0xad: {  	[dreg:$0x0] =	wrdreg $0x60  }
0xae: {  	[dreg:$0x2] =	wrdreg s24  }
0xaf: {  	[dreg:$0x3] =	wrdreg s2  }
0xb0: {  	[dreg:$0x4] =	wrdreg $0xA8000  }
0xb1: {  	[dreg:$0x5] =	wrdreg $0x9  }
0xb2: {  	_ =	task.clear_ibuf [dreg:s7], $0x6FFFF;
	_ =	strace $0x90000049  }
0xb3: {  	s29 =	simm.s32 $0x9;
	_ =	strace $0x8000004B  }
0xb4: {  	_ =	swait.ge [sflag:s29], $0x1  }
0xb5: {  	[sflag:s29] =	ssyncadd.s32 $0xFFFFFFFF  }
0xb6: {  	_ =	strace $0x9000004B  }
0xb7: {  	_ =	sfence  }
0xb8: {  	s30 =	sld [smem:$0x0];
	_ =	sdelay $0x2  }
0xb9: {  	s31 =	sshll.u32 s1, $0xD;
	s1 =	sshrl.u32 s1, $0x2  }
0xba: {  	s3 =	sand.u32 $0x4000, s31;
	s1 =	sadd.s32 s1, s30  }
0xbb: {  	s0 =	sor.u32 s3, s0;
	s1 =	sshll.u32 s1, $0x11  }
0xbc: {  	s0 =	sor.u32 s1, s0  }
0xbd: {  	s0 =	sadd.s32 $0x8F2B, s0  }
0xbe: {  	[sflag:s0] =	ssyncadd.remote.s32 $0x1  }
0xbf: {  	_ =	sfence.sel $0xFFFF  }
0xc0: {  	[dreg:$0x0] =	wrdreg $0xFFFFFFFF;
	(pc) =	sbr.abs _section_cstart, $3  }
0xc1: {  	[dreg:$0x1] =	wrdreg $0xFFFFFFFF  }
0xc2: {  	_ =	task.clear_ibuf [dreg:s7], $0x2FFFF;
	_ =	strace $0x9FFFFFFF  }
0xc3: {  	(tm) =	ssettm $0x7FFFFFFF  }
tec
execute0_lowered:
.L_overlay_start_1:
0x0: {  	(tag) =	ssettag $0x1  }
0x1: {  	s5 =	rddreg [dreg:$0x0]  }
0x2: {  	s11 =	rddreg [dreg:$0x1]  }
0x3: {  	s2 =	rddreg [dreg:$0x2]  }
0x4: {  	s0 =	rddreg [dreg:$0x3]  }
0x5: {  	s1 =	stileid.u32;
	s4 =	srdreg.scid;
	s3 =	simm.s32 $0x0  }
0x6: {  	s16 =	simm.s32 $0x80;
	s17 =	simm.s32 $0x2800;
	s18 =	simm.s32 $0x6800  }
0x7: {  	s19 =	simm.s32 $0x1;
	s20 =	simm.s32 $0x1380;
	s21 =	simm.s32 $0x2700  }
0x8: {  	s22 =	simm.s32 $0x2780;
	s23 =	simm.s32 $0x0;
	s6 =	smul.u32 $0x13C00, s1  }
0x9: {  	s7 =	sand.u32 $0x1, s4;
	[smem:$0x7FF] =	sst s3;
	s4 =	sadd.s32 $0xD400, s5  }
0xa: {  	s12 =	sadd.s32 $0x3400, s5;
	s13 =	smul.u32 $0x4F000, s1;
	s14 =	sshll.u32 s1, $0x1  }
0xb: {  	s29 =	sshll.u32 s1, $0x6;
	s8 =	smul.u32 $0x13C000, s7;
	_ =	strace $0x8000004A  }
0xc: {  	s25 =	ssub.s32 $0x2, s7;
	s26 =	sor.u32 s7, s14;
	s14 =	simm.s32 $0x2  }
0xd: {  	s9 =	sshrl.u32 s6, $0x3;
	s10 =	sshrl.u32 s25, $0x1;
	s28 =	sshrl.u32 s13, $0x2  }
0xe: {  	s30 =	smul.u32 $0x500, s26;
	s6 =	sadd.s32 s6, s8;
	s24 =	sadd.s32 s9, s5  }
0xf: {  	s9 =	ssub.s32 s25, s10;
	s13 =	sadd.s32 s28, s2;
	s6 =	sshrl.u32 s6, $0x3  }
0x10: {  	s8 =	smax.u32 s9, $0x1;
	s31 =	sadd.s32 $0x280, s30;
	s9 =	sadd.s32 s11, s30  }
0x11: {  	s10 =	sadd.s32 s12, s30;
	s13 =	sshrl.u32 s13, $0x3;
	s15 =	sadd.s32 s6, s5  }
0x12: {  	s5 =	sadd.s32 $0x5B800, s24;
	s6 =	sor.u32 $0x1C02, s29;
	s11 =	sadd.s32 s11, s31  }
0x13: {  	s12 =	sadd.s32 s12, s31;
	s7 =	sadd.s32 $0x83000, s15;
	s15 =	simm.s32 $0x1400  }
.LBB2_1:
0x14: {  	[spmem:s13], [sflag:s6] =	dma.local [hbm:s5], $0x2780  }
0x15: {  	_ =	swait.ge [sflag:s14], $0x2780  }
0x16: {  	[sflag:s14] =	ssyncset.done $0x0  }
0x17: {  	[sflag:s14] =	ssyncadd.s32 $0xFFFFD880  }
0x18: {  	[bflag:$0x0] =	sbarrier.arrive $0xFFFF  }
0x19: {  	[tilespmem:s3], [sflag:$0x2] =	stream.linear.gather [hbm4b:s9+s3], $0x1400, $0x38;
	[tilespmem:$0x1E400] =	vst v63  }
0x1a: {  	_ =	swait.ge [sflag:s14], $0x1400  }
0x1b: {  	[sflag:s14] =	ssyncset.done $0x0  }
0x1c: {  	[sflag:s14] =	ssyncadd.s32 $0xFFFFEC00  }
0x1d: {  	[tilespmem:s15], [sflag:$0x2] =	stream.linear.gather [hbm4b:s10+s3], $0x1400, $0x38;
	[tilespmem:$0x1E400] =	vst v63  }
0x1e: {  	_ =	swait.ge [sflag:s14], $0x1400  }
0x1f: {  	[sflag:s14] =	ssyncset.done $0x0  }
0x20: {  	[sflag:s14] =	ssyncadd.s32 $0xFFFFEC00  }
0x21: {  	[tilespmem:s17], [sflag:$0x1] =	stream.indirect.gather [hbm4b:s4+s16], $0x80, s3, s16, $0xb8;
	[tilespmem:$0x1E400] =	vst v63  }
0x22: {  	s24 =	simm.s32 $0x80  }
0x23: {  	[tilespmem:s18], [sflag:$0x1] =	stream.indirect.gather [hbm4b:s4+s16], $0x80, s24, s16, $0xb8;
	[tilespmem:$0x1E400] =	vst v63  }
0x24: {  	_ =	swait.ge [sflag:s19], $0x4000  }
0x25: {  	[sflag:s19] =	ssyncset.done $0x0  }
0x26: {  	s29 =	simm.s32 $0x1400;
	[sflag:s19] =	ssyncadd.s32 $0xFFFFC000  }
0x27: {  	[spmem:s2] =	stream.indirect.scatter.add.f32 [tilespmem:s17], [sflag:$0x2], $0x80, s29, s16, $0xb8;
	[tilespmem:$0x1E400] =	vst v63  }
0x28: {  	_ =	swait.ge [sflag:s14], $0x4000  }
0x29: {  	[sflag:s14] =	ssyncset.done $0x0  }
0x2a: {  	s30 =	simm.s32 $0x100;
	[sflag:s14] =	ssyncadd.s32 $0xFFFFC000  }
0x2b: {  	[tilespmem:s17], [sflag:$0x1] =	stream.indirect.gather [hbm4b:s4+s16], $0x80, s30, s16, $0xb8;
	[tilespmem:$0x1E400] =	vst v63  }
0x2c: {  	_ =	swait.ge [sflag:s19], $0x4000  }
0x2d: {  	[sflag:s19] =	ssyncset.done $0x0  }
0x2e: {  	s31 =	simm.s32 $0x1480;
	[sflag:s19] =	ssyncadd.s32 $0xFFFFC000  }
0x2f: {  	[spmem:s2] =	stream.indirect.scatter.add.f32 [tilespmem:s18], [sflag:$0x2], $0x80, s31, s16, $0xb8;
	[tilespmem:$0x1E400] =	vst v63  }
0x30: {  	_ =	swait.ge [sflag:s14], $0x4000  }
0x31: {  	s25 =	simm.s32 $0x800;
	s24 =	simm.s32 $0x100;
	[sflag:s14] =	ssyncset.done $0x0  }
.LBB2_2:
0x32: {  	s26 =	sadd.s32 $0x80, s24  }
0x33: {  	[sflag:s14] =	ssyncadd.s32 $0xFFFFC000;
	s28 =	smov.u32 s25;
	s29 =	sadd.s32 $0x400, s25  }
0x34: {  	[tilespmem:s18], [sflag:$0x1] =	stream.indirect.gather [hbm4b:s4+s16], $0x80, s26, s16, $0xb8;
	[tilespmem:$0x1E400] =	vst v63  }
0x35: {  	p0 =	sne.s32 s25, $0x4800;
	_ =	swait.ge [sflag:s19], $0x4000  }
0x36: {  	[sflag:s19] =	ssyncset.done $0x0  }
0x37: {  	s25 =	sadd.s32 $0x1400, s24;
	[sflag:s19] =	ssyncadd.s32 $0xFFFFC000  }
0x38: {  	[spmem:s2] =	stream.indirect.scatter.add.f32 [tilespmem:s17], [sflag:$0x2], $0x80, s25, s16, $0xb8;
	[tilespmem:$0x1E400] =	vst v63  }
0x39: {  	_ =	swait.ge [sflag:s14], $0x4000  }
0x3a: {  	[sflag:s14] =	ssyncset.done $0x0  }
0x3b: {  	s25 =	sadd.s32 $0x100, s24;
	[sflag:s14] =	ssyncadd.s32 $0xFFFFC000  }
0x3c: {  	[tilespmem:s17], [sflag:$0x1] =	stream.indirect.gather [hbm4b:s4+s16], $0x80, s25, s16, $0xb8;
	[tilespmem:$0x1E400] =	vst v63  }
0x3d: {  	_ =	swait.ge [sflag:s19], $0x4000  }
.Ltmp0:
0x3e: {  	[sflag:s19] =	ssyncset.done $0x0;
	(pc) =	sbr.rel @p0 .LBB2_2-.Ltmp0, $4  }
0x3f: {  	s24 =	sadd.s32 $0x1480, s24;
	[sflag:s19] =	ssyncadd.s32 $0xFFFFC000  }
0x40: {  	[spmem:s2] =	stream.indirect.scatter.add.f32 [tilespmem:s18], [sflag:$0x2], $0x80, s24, s16, $0xb8;
	[tilespmem:$0x1E400] =	vst v63  }
0x41: {  	_ =	swait.ge [sflag:s14], $0x4000  }
0x42: {  	s25 =	smov.u32 s29;
	s24 =	sshra.s32 s28, $0x2;
	[sflag:s14] =	ssyncset.done $0x0  }
0x43: {  	s25 =	sadd.s32 $0x80, s24;
	[sflag:s14] =	ssyncadd.s32 $0xFFFFC000  }
0x44: {  	[tilespmem:s18], [sflag:$0x1] =	stream.indirect.gather [hbm4b:s4+s16], $0x80, s25, s16, $0xb8;
	[tilespmem:$0x1E400] =	vst v63  }
0x45: {  	_ =	swait.ge [sflag:s19], $0x4000  }
0x46: {  	[sflag:s19] =	ssyncset.done $0x0  }
0x47: {  	s30 =	sadd.s32 $0x1400, s24;
	[sflag:s19] =	ssyncadd.s32 $0xFFFFC000  }
0x48: {  	[spmem:s2] =	stream.indirect.scatter.add.f32 [tilespmem:s17], [sflag:$0x2], $0x80, s30, s16, $0xb8;
	[tilespmem:$0x1E400] =	vst v63  }
0x49: {  	_ =	swait.ge [sflag:s14], $0x4000  }
0x4a: {  	[sflag:s14] =	ssyncset.done $0x0  }
0x4b: {  	s31 =	sadd.s32 $0x100, s24;
	[sflag:s14] =	ssyncadd.s32 $0xFFFFC000  }
0x4c: {  	[tilespmem:s17], [sflag:$0x1] =	stream.indirect.gather [hbm4b:s4+s16], $0x80, s31, s16, $0xb8;
	[tilespmem:$0x1E400] =	vst v63  }
0x4d: {  	_ =	swait.ge [sflag:s19], $0x4000  }
0x4e: {  	[sflag:s19] =	ssyncset.done $0x0  }
0x4f: {  	s25 =	sadd.s32 $0x1480, s24;
	[sflag:s19] =	ssyncadd.s32 $0xFFFFC000  }
0x50: {  	[spmem:s2] =	stream.indirect.scatter.add.f32 [tilespmem:s18], [sflag:$0x2], $0x80, s25, s16, $0xb8;
	[tilespmem:$0x1E400] =	vst v63  }
0x51: {  	_ =	swait.ge [sflag:s14], $0x4000  }
0x52: {  	[sflag:s14] =	ssyncset.done $0x0  }
0x53: {  	[sflag:s14] =	ssyncadd.s32 $0xFFFFC000  }
0x54: {  	[tilespmem:s18], [sflag:$0x1] =	stream.indirect.gather [hbm4b:s4+s16], $0x80, s20, s16, $0xb8;
	[tilespmem:$0x1E400] =	vst v63  }
0x55: {  	_ =	swait.ge [sflag:s19], $0x4000  }
0x56: {  	[sflag:s19] =	ssyncset.done $0x0  }
0x57: {  	[sflag:s19] =	ssyncadd.s32 $0xFFFFC000  }
0x58: {  	[spmem:s2] =	stream.indirect.scatter.add.f32 [tilespmem:s17], [sflag:$0x2], $0x80, s21, s16, $0xb8;
	[tilespmem:$0x1E400] =	vst v63  }
0x59: {  	_ =	swait.ge [sflag:s14], $0x4000  }
0x5a: {  	[sflag:s14] =	ssyncset.done $0x0  }
0x5b: {  	[sflag:s14] =	ssyncadd.s32 $0xFFFFC000  }
0x5c: {  	_ =	swait.ge [sflag:s19], $0x4000  }
0x5d: {  	[sflag:s19] =	ssyncset.done $0x0  }
0x5e: {  	[sflag:s19] =	ssyncadd.s32 $0xFFFFC000  }
0x5f: {  	[spmem:s2] =	stream.indirect.scatter.add.f32 [tilespmem:s18], [sflag:$0x2], $0x80, s22, s16, $0xb8;
	[tilespmem:$0x1E400] =	vst v63  }
0x60: {  	_ =	swait.ge [sflag:s14], $0x4000  }
0x61: {  	[sflag:s14] =	ssyncset.done $0x0  }
0x62: {  	s26 =	simm.s32 $0x0;
	[sflag:s14] =	ssyncadd.s32 $0xFFFFC000  }
0x63: {  	[tilespmem:s26], [sflag:$0x2] =	stream.linear.gather [hbm4b:s11+s26], $0x1400, $0x38;
	[tilespmem:$0x1E400] =	vst v63  }
0x64: {  	_ =	swait.ge [sflag:s14], $0x1400  }
0x65: {  	[sflag:s14] =	ssyncset.done $0x0  }
0x66: {  	[sflag:s14] =	ssyncadd.s32 $0xFFFFEC00  }
0x67: {  	[tilespmem:s15], [sflag:$0x2] =	stream.linear.gather [hbm4b:s12+s26], $0x1400, $0x38;
	[tilespmem:$0x1E400] =	vst v63  }
0x68: {  	_ =	swait.ge [sflag:s14], $0x1400  }
0x69: {  	[sflag:s14] =	ssyncset.done $0x0  }
0x6a: {  	[sflag:s14] =	ssyncadd.s32 $0xFFFFEC00  }
0x6b: {  	[tilespmem:s17], [sflag:$0x1] =	stream.indirect.gather [hbm4b:s4+s16], $0x80, s26, s16, $0xb8;
	[tilespmem:$0x1E400] =	vst v63  }
0x6c: {  	s28 =	simm.s32 $0x80  }
0x6d: {  	[tilespmem:s18], [sflag:$0x1] =	stream.indirect.gather [hbm4b:s4+s16], $0x80, s28, s16, $0xb8;
	[tilespmem:$0x1E400] =	vst v63  }
0x6e: {  	_ =	swait.ge [sflag:s19], $0x4000  }
0x6f: {  	[sflag:s19] =	ssyncset.done $0x0  }
0x70: {  	s29 =	simm.s32 $0x1400;
	[sflag:s19] =	ssyncadd.s32 $0xFFFFC000  }
0x71: {  	[spmem:s2] =	stream.indirect.scatter.add.f32 [tilespmem:s17], [sflag:$0x2], $0x80, s29, s16, $0xb8;
	[tilespmem:$0x1E400] =	vst v63  }
0x72: {  	_ =	swait.ge [sflag:s14], $0x4000  }
0x73: {  	[sflag:s14] =	ssyncset.done $0x0  }
0x74: {  	s30 =	simm.s32 $0x100;
	[sflag:s14] =	ssyncadd.s32 $0xFFFFC000  }
0x75: {  	[tilespmem:s17], [sflag:$0x1] =	stream.indirect.gather [hbm4b:s4+s16], $0x80, s30, s16, $0xb8;
	[tilespmem:$0x1E400] =	vst v63  }
0x76: {  	_ =	swait.ge [sflag:s19], $0x4000  }
0x77: {  	[sflag:s19] =	ssyncset.done $0x0  }
0x78: {  	s31 =	simm.s32 $0x1480;
	[sflag:s19] =	ssyncadd.s32 $0xFFFFC000  }
0x79: {  	[spmem:s2] =	stream.indirect.scatter.add.f32 [tilespmem:s18], [sflag:$0x2], $0x80, s31, s16, $0xb8;
	[tilespmem:$0x1E400] =	vst v63  }
0x7a: {  	_ =	swait.ge [sflag:s14], $0x4000  }
0x7b: {  	s24 =	simm.s32 $0x100;
	s25 =	simm.s32 $0x800;
	[sflag:s14] =	ssyncset.done $0x0  }
.LBB2_4:
0x7c: {  	s26 =	sadd.s32 $0x80, s24  }
0x7d: {  	[sflag:s14] =	ssyncadd.s32 $0xFFFFC000;
	s28 =	smov.u32 s25;
	s29 =	sadd.s32 $0x400, s25  }
0x7e: {  	[tilespmem:s18], [sflag:$0x1] =	stream.indirect.gather [hbm4b:s4+s16], $0x80, s26, s16, $0xb8;
	[tilespmem:$0x1E400] =	vst v63  }
0x7f: {  	p0 =	sne.s32 s25, $0x4800;
	_ =	swait.ge [sflag:s19], $0x4000  }
0x80: {  	[sflag:s19] =	ssyncset.done $0x0  }
0x81: {  	s25 =	sadd.s32 $0x1400, s24;
	[sflag:s19] =	ssyncadd.s32 $0xFFFFC000  }
0x82: {  	[spmem:s2] =	stream.indirect.scatter.add.f32 [tilespmem:s17], [sflag:$0x2], $0x80, s25, s16, $0xb8;
	[tilespmem:$0x1E400] =	vst v63  }
0x83: {  	_ =	swait.ge [sflag:s14], $0x4000  }
0x84: {  	[sflag:s14] =	ssyncset.done $0x0  }
0x85: {  	s25 =	sadd.s32 $0x100, s24;
	[sflag:s14] =	ssyncadd.s32 $0xFFFFC000  }
0x86: {  	[tilespmem:s17], [sflag:$0x1] =	stream.indirect.gather [hbm4b:s4+s16], $0x80, s25, s16, $0xb8;
	[tilespmem:$0x1E400] =	vst v63  }
0x87: {  	_ =	swait.ge [sflag:s19], $0x4000  }
.Ltmp1:
0x88: {  	[sflag:s19] =	ssyncset.done $0x0;
	(pc) =	sbr.rel @p0 .LBB2_4-.Ltmp1, $4  }
0x89: {  	s24 =	sadd.s32 $0x1480, s24;
	[sflag:s19] =	ssyncadd.s32 $0xFFFFC000  }
0x8a: {  	[spmem:s2] =	stream.indirect.scatter.add.f32 [tilespmem:s18], [sflag:$0x2], $0x80, s24, s16, $0xb8;
	[tilespmem:$0x1E400] =	vst v63  }
0x8b: {  	_ =	swait.ge [sflag:s14], $0x4000  }
0x8c: {  	s25 =	smov.u32 s29;
	s24 =	sshra.s32 s28, $0x2;
	[sflag:s14] =	ssyncset.done $0x0  }
0x8d: {  	s25 =	sadd.s32 $0x80, s24;
	[sflag:s14] =	ssyncadd.s32 $0xFFFFC000  }
0x8e: {  	[tilespmem:s18], [sflag:$0x1] =	stream.indirect.gather [hbm4b:s4+s16], $0x80, s25, s16, $0xb8;
	[tilespmem:$0x1E400] =	vst v63  }
0x8f: {  	_ =	swait.ge [sflag:s19], $0x4000  }
0x90: {  	[sflag:s19] =	ssyncset.done $0x0  }
0x91: {  	s29 =	sadd.s32 $0x1400, s24;
	[sflag:s19] =	ssyncadd.s32 $0xFFFFC000  }
0x92: {  	[spmem:s2] =	stream.indirect.scatter.add.f32 [tilespmem:s17], [sflag:$0x2], $0x80, s29, s16, $0xb8;
	[tilespmem:$0x1E400] =	vst v63  }
0x93: {  	_ =	swait.ge [sflag:s14], $0x4000  }
0x94: {  	[sflag:s14] =	ssyncset.done $0x0  }
0x95: {  	s30 =	sadd.s32 $0x100, s24;
	[sflag:s14] =	ssyncadd.s32 $0xFFFFC000  }
0x96: {  	[tilespmem:s17], [sflag:$0x1] =	stream.indirect.gather [hbm4b:s4+s16], $0x80, s30, s16, $0xb8;
	[tilespmem:$0x1E400] =	vst v63  }
0x97: {  	_ =	swait.ge [sflag:s19], $0x4000  }
0x98: {  	[sflag:s19] =	ssyncset.done $0x0  }
0x99: {  	s31 =	sadd.s32 $0x1480, s24;
	[sflag:s19] =	ssyncadd.s32 $0xFFFFC000  }
0x9a: {  	[spmem:s2] =	stream.indirect.scatter.add.f32 [tilespmem:s18], [sflag:$0x2], $0x80, s31, s16, $0xb8;
	[tilespmem:$0x1E400] =	vst v63  }
0x9b: {  	_ =	swait.ge [sflag:s14], $0x4000  }
0x9c: {  	[sflag:s14] =	ssyncset.done $0x0  }
0x9d: {  	[sflag:s14] =	ssyncadd.s32 $0xFFFFC000  }
0x9e: {  	[tilespmem:s18], [sflag:$0x1] =	stream.indirect.gather [hbm4b:s4+s16], $0x80, s20, s16, $0xb8;
	[tilespmem:$0x1E400] =	vst v63  }
0x9f: {  	_ =	swait.ge [sflag:s19], $0x4000  }
0xa0: {  	[sflag:s19] =	ssyncset.done $0x0  }
0xa1: {  	[sflag:s19] =	ssyncadd.s32 $0xFFFFC000  }
0xa2: {  	[spmem:s2] =	stream.indirect.scatter.add.f32 [tilespmem:s17], [sflag:$0x2], $0x80, s21, s16, $0xb8;
	[tilespmem:$0x1E400] =	vst v63  }
0xa3: {  	_ =	swait.ge [sflag:s14], $0x4000  }
0xa4: {  	[sflag:s14] =	ssyncset.done $0x0  }
0xa5: {  	[sflag:s14] =	ssyncadd.s32 $0xFFFFC000  }
0xa6: {  	_ =	swait.ge [sflag:s19], $0x4000  }
0xa7: {  	[sflag:s19] =	ssyncset.done $0x0  }
0xa8: {  	[sflag:s19] =	ssyncadd.s32 $0xFFFFC000  }
0xa9: {  	[spmem:s2] =	stream.indirect.scatter.add.f32 [tilespmem:s18], [sflag:$0x2], $0x80, s22, s16, $0xb8;
	[tilespmem:$0x1E400] =	vst v63  }
0xaa: {  	_ =	swait.ge [sflag:s14], $0x4000  }
0xab: {  	s23 =	sadd.s32 $0x1, s23;
	[sflag:s14] =	ssyncset.done $0x0  }
0xac: {  	p0 =	sne.s32 s23, s8;
	[sflag:s14] =	ssyncadd.s32 $0xFFFFC000  }
.Ltmp2:
0xad: {  	[bflag:$0x0] =	sbarrier.arrive $0xFFFF;
	(pc) =	sbr.rel @p0 .LBB2_1-.Ltmp2, $4  }
0xae: {  	[hbm:s7], [sflag:s6] =	dma.local [spmem:s13], $0x2780  }
0xaf: {  	_ =	swait.ge [sflag:s14], $0x2780  }
0xb0: {  	[sflag:s14] =	ssyncset.done $0x0  }
0xb1: {  	[sflag:s14] =	ssyncadd.s32 $0xFFFFD880  }
0xb2: {  	_ =	sfence.sel $0x180000  }
0xb3: {  	[bflag:$0x0] =	sbarrier.arrive $0xFFFF  }
0xb4: {  	p0 =	sne.s32 s1, $0x0;
	_ =	strace $0x9000004A  }
0xb5: {  	s0 =	sadd.s32 @!p0 $0x100000, s0;
	[bflag:$0x2] =	sbarrier.arrive $0xFFFF  }
0xb6: {  	[sflag:s0] =	ssyncadd.tile.s32 @!p0 $0x1;
	_ =	shalt  }
.Lfunc_end2:
_tile_overlayer_lowered:
.L_overlay_start_2:
0xb7: {  	(tag) =	ssettag $0x2  }
0xb8: {  	s0 =	rddreg [dreg:$0x0];
	s2 =	stileid.u32  }
0xb9: {  	s1 =	rddreg [dreg:$0x1];
	p0 =	sne.s32 s2, $0x0  }
0xba: {  	s3 =	rddreg [dreg:$0x2];
	[bflag:$0x3] =	sbarrier.arrive $0xFFFF;
	s2 =	simm.s32 @!p0 $0x1C02  }
0xbb: {  	[timem:s3], [sflag:s2] =	dma.local @!p0 [hbm:s0], s1  }
0xbc: {  	s0 =	simm.s32 @!p0 $0x2  }
0xbd: {  	_ =	swait.ge @!p0 [sflag:s0], s1  }
0xbe: {  	s1 =	ssub.s32 @!p0 $0x0, s1;
	[sflag:s0] =	ssyncset.done @!p0 $0x0  }
0xbf: {  	[sflag:s0] =	ssyncadd.s32 @!p0 s1  }
0xc0: {  	[bflag:$0x3] =	sbarrier.arrive $0xFFFF  }
0xc1: {  	_ =	shalt  }

// kernel: kernel.14.cloned.1.call-start
scs
__scs_entry_jumppad:
0x0: {  	(pc) =	sbr.rel $0x88, $3  }
0x1: {  	(tag) =	ssettag $0x0;
	lr =	simm.s32 $0x1  }
0x2: {  	[smem:$0x3F99] =	sst lr;
	_ =	strace $0xD0000000  }
0x3: {  	_ = 	snop  }
0x4: {  	_ = 	snop  }
0x5: {  	_ = 	snop  }
0x6: {  	_ = 	snop  }
0x7: {  	_ = 	snop  }
__scs_overlays_trampoline_lowered:
0x8: {  	[smem:$0x3FA8] =	sst s0  }
0x9: {  	[smem:$0x3FA9] =	sst s1  }
0xa: {  	[smem:$0x3FAA] =	sst s2  }
0xb: {  	[smem:$0x3FAB] =	sst s3  }
0xc: {  	[smem:$0x3FAC] =	sst s4  }
0xd: {  	[smem:$0x3FAD] =	sst s5  }
0xe: {  	[smem:$0x3FAE] =	sst s6  }
0xf: {  	[smem:$0x3FAF] =	sst s7  }
0x10: {  	[smem:$0x3FB0] =	sst s8  }
0x11: {  	[smem:$0x3FB1] =	sst s9;
	s0 =	simm.s32 @!p0 $0x0  }
0x12: {  	s1 =	sld [smem:$0x3F97];
	s0 =	simm.s32 @p0 $0x1  }
0x13: {  	[smem:$0x3FB2] =	sst s0;
	s0 =	simm.s32 @!p1 $0x0  }
0x14: {  	s2 =	sld [smem:$0x3F96];
	s0 =	simm.s32 @p1 $0x1  }
0x15: {  	[smem:$0x3FB3] =	sst s0;
	s0 =	simm.s32 @!p2 $0x0  }
0x16: {  	s3 =	sld [smem:$0x3FDB];
	s0 =	simm.s32 @p2 $0x1  }
0x17: {  	s4 =	simm.s32 $0x1BF5;
	[smem:$0x3FB5] =	sst s0  }
0x18: {  	s0 =	sld [smem:$0x3F98];
	_ =	swait.ge [sflag:s4], $0x0  }
0x19: {  	s7 =	sld [smem:$0x3F99]  }
0x1a: {  	s8 =	sadd.s32 $0xFFFFE003, lr  }
0x1b: {  	s9 =	sadd.s32 $0xFFFFFEF7, lr;
	s5 =	simm.s32 $0xFFFFFFFF;
	p2 =	slt.u32 s8, $0xFFFFF086  }
0x1c: {  	p1 =	slt.u32 s9, $0xF7A;
	s5 =	simm.s32 @!p2 $0x0  }
0x1d: {  	s5 =	simm.s32 @p1 $0x1;
	p0 =	seq.s32 s7, s2  }
0x1e: {  	s7 =	smul.u32 @!p0 $0xF7A, s2;
	p2 =	seq.s32 @!p0 s5, $0x0  }
0x1f: {  	s9 =	smul.u32 $0xF7A, s1;
	s8 =	simm.s32 @!p0 $0x1BF5;
	p2 =	por !p2, p0  }
0x20: {  	[sflag:s8] =	ssyncset.s32 @!p0 $0xFFFFF086;
	s6 =	sadd.s32 @!p0 s3, s7;
	s7 =	simm.s32 @!p0 $0x108  }
0x21: {  	s3 =	sadd.s32 s3, s9;
	s6 =	sadd.s32 @!p0 $0x88, s6;
	s7 =	simm.s32 @p2 $0x1082  }
0x22: {  	[simem:s7], [sflag:s8] =	dma.local @!p0 [hbm:s6], $0xF7A  }
0x23: {  	s9 =	sor.u32 $0xD0000000, s2;
	s6 =	simm.s32 $0x108;
	_ =	swait.ge @!p0 [sflag:s8], $0x0  }
0x24: {  	s3 =	sadd.s32 $0x88, s3;
	s6 =	simm.s32 @!p1 $0x1082;
	[sflag:s4] =	ssyncset.s32 $0xFFFFF086  }
0x25: {  	[simem:s6], [sflag:s4] =	dma.local [hbm:s3], $0xF7A  }
0x26: {  	[smem:$0x3F99] =	sst s1;
	(tag) =	ssettag s2;
	_ =	strace s9  }
0x27: {  	s1 =	sld [smem:$0x3FA9]  }
0x28: {  	s2 =	sld [smem:$0x3FAA]  }
0x29: {  	s4 =	sld [smem:$0x3FAC]  }
0x2a: {  	p0 =	seq.s32 s5, $0x0;
	s5 =	sld [smem:$0x3FAD]  }
0x2b: {  	s6 =	sld [smem:$0x3FAE]  }
0x2c: {  	s7 =	sld [smem:$0x3FAF]  }
0x2d: {  	s3 =	simm.s32 $0x108;
	s8 =	sld [smem:$0x3FB0]  }
0x2e: {  	s3 =	simm.s32 @!p0 $0x1082;
	s9 =	sld [smem:$0x3FB1]  }
0x2f: {  	lr =	sadd.s32 s0, s3;
	s0 =	sld [smem:$0x3FA8]  }
0x30: {  	s3 =	sld [smem:$0x3FAB]  }
0x31: {  	[smem:$0x3FB4] =	sst s10  }
0x32: {  	s10 =	sld [smem:$0x3FB2];
	_ =	sdelay $0x3  }
0x33: {  	p0 =	seq.s32 s10, $0x1;
	s10 =	sld [smem:$0x3FB4];
	_ =	sdelay $0x3  }
0x34: {  	[smem:$0x3FB4] =	sst s10  }
0x35: {  	s10 =	sld [smem:$0x3FB3];
	_ =	sdelay $0x3  }
0x36: {  	p1 =	seq.s32 s10, $0x1;
	s10 =	sld [smem:$0x3FB4];
	_ =	sdelay $0x3  }
0x37: {  	[smem:$0x3FB4] =	sst s10  }
0x38: {  	s10 =	sld [smem:$0x3FB5]  }
0x39: {  	_ = 	snop;
	(pc) =	sbr.ind lr, $3  }
0x3a: {  	_ = 	snop  }
0x3b: {  	_ = 	snop  }
0x3c: {  	p2 =	seq.s32 s10, $0x1;
	s10 =	sld [smem:$0x3FB4]  }
0x3d: {  	_ =	shalt  }
0x3e: {  	_ =	shalt  }
0x3f: {  	_ =	shalt  }
0x40: {  	_ =	shalt  }
0x41: {  	_ =	shalt  }
0x42: {  	_ =	shalt  }
0x43: {  	_ =	shalt  }
0x44: {  	_ =	shalt  }
0x45: {  	_ =	shalt  }
0x46: {  	_ =	shalt  }
0x47: {  	_ =	shalt  }
0x48: {  	_ =	shalt  }
0x49: {  	_ =	shalt  }
0x4a: {  	_ =	shalt  }
0x4b: {  	_ =	shalt  }
0x4c: {  	_ =	shalt  }
0x4d: {  	_ =	shalt  }
0x4e: {  	_ =	shalt  }
0x4f: {  	_ =	shalt  }
0x50: {  	_ =	shalt  }
0x51: {  	_ =	shalt  }
0x52: {  	_ =	shalt  }
0x53: {  	_ =	shalt  }
0x54: {  	_ =	shalt  }
0x55: {  	_ =	shalt  }
0x56: {  	_ =	shalt  }
0x57: {  	_ =	shalt  }
0x58: {  	_ =	shalt  }
0x59: {  	_ =	shalt  }
0x5a: {  	_ =	shalt  }
0x5b: {  	_ =	shalt  }
0x5c: {  	_ =	shalt  }
0x5d: {  	_ =	shalt  }
0x5e: {  	_ =	shalt  }
0x5f: {  	_ =	shalt  }
0x60: {  	_ =	shalt  }
0x61: {  	_ =	shalt  }
0x62: {  	_ =	shalt  }
0x63: {  	_ =	shalt  }
0x64: {  	_ =	shalt  }
0x65: {  	_ =	shalt  }
0x66: {  	_ =	shalt  }
0x67: {  	_ =	shalt  }
0x68: {  	_ =	shalt  }
0x69: {  	_ =	shalt  }
0x6a: {  	_ =	shalt  }
0x6b: {  	_ =	shalt  }
0x6c: {  	_ =	shalt  }
0x6d: {  	_ =	shalt  }
0x6e: {  	_ =	shalt  }
0x6f: {  	_ =	shalt  }
0x70: {  	_ =	shalt  }
0x71: {  	_ =	shalt  }
0x72: {  	_ =	shalt  }
0x73: {  	_ =	shalt  }
0x74: {  	_ =	shalt  }
0x75: {  	_ =	shalt  }
0x76: {  	_ =	shalt  }
0x77: {  	_ =	shalt  }
0x78: {  	_ =	shalt  }
0x79: {  	_ =	shalt  }
0x7a: {  	_ =	shalt  }
0x7b: {  	_ =	shalt  }
0x7c: {  	_ =	shalt  }
0x7d: {  	_ =	shalt  }
0x7e: {  	_ =	shalt  }
0x7f: {  	_ =	shalt  }
0x80: {  	_ =	shalt  }
0x81: {  	_ =	shalt  }
0x82: {  	_ =	shalt  }
0x83: {  	_ =	shalt  }
0x84: {  	_ =	shalt  }
0x85: {  	_ =	shalt  }
0x86: {  	_ =	shalt  }
0x87: {  	_ =	shalt  }
.Lfunc_end0:
.L_simem_size_0:
called_computation.2_lowered:
.L_overlay_start_0:
0x88: {  	s2 =	sld [smem:$0x3FD9]  }
0x89: {  	s3 =	sld [smem:$0x3FFE];
	_ =	sdelay $0x1  }
0x8a: {  	s1 =	srdreg.scid  }
0x8b: {  	s0 =	sand.u32 $0x1, s1  }
0x8c: {  	s17 =	sshll.u32 s0, $0xA;
	s2 =	sadd.s32 s3, s2  }
0x8d: {  	s2 =	sadd.s32 s2, s17  }
0x8e: {  	[smem:$0x3FC0] =	sst s2  }
0x8f: {  	_ = 	snop  }
0x90: {  	s2 =	sld [smem:$0x3FD0];
	(tm) =	ssettm $0x1  }
0x91: {  	s18 =	sld [smem:$0x3FFB];
	_ =	sdelay $0x3  }
0x92: {  	_ =	strace s18  }
0x93: {  	s3 =	sld [smem:$0x3FFC];
	_ =	sdelay $0x3  }
0x94: {  	_ =	strace s3  }
0x95: {  	s3 =	sld [smem:$0x3FFD];
	_ =	sdelay $0x3  }
0x96: {  	_ =	strace s3  }
0x97: {  	_ =	strace $0x8FFFFFFF  }
0x98: {  	s19 =	sld [smem:$0x3FDB];
	_ =	sdelay $0x1  }
0x99: {  	s4 =	simm.s32 $_scs_section_size  }
0x9a: {  	s5 =	simm.s32 $_size__tile_overlayer_lowered;
	s6 =	simm.s32 $_tile_overlayer_lowered  }
0x9b: {  	s22 =	simm.s32 $0x1BFF;
	s21 =	sshll.u32 s6, $0x1;
	s3 =	sadd.s32 s4, s19  }
0x9c: {  	s7 =	simm.s32 $0x0;
	s20 =	sshll.u32 s5, $0x1;
	s5 =	sadd.s32 s21, s3  }
0x9d: {  	[timem:s7], [sflag:s22] =	dma.local [hbm:s5], s20  }
0x9e: {  	_ =	swait.ge [sflag:s22], s20  }
0x9f: {  	s4 =	ssub.s32 $0x0, s20;
	[sflag:s22] =	ssyncset.done $0x0  }
0xa0: {  	[sflag:s22] =	ssyncadd.s32 s4;
	_ =	sdelay $0x1  }
0xa1: {  	s23 =	simm.s32 $0x1B8B  }
0xa2: {  	_ =	swait.ge [sflag:s23], $0x1  }
0xa3: {  	[sflag:s23] =	ssyncset.done $0x0  }
0xa4: {  	s25 =	simm.s32 $0x1B8E;
	s24 =	sld [smem:$0x3FFE];
	[sflag:s23] =	ssyncadd.s32 $0xFFFFFFFF  }
0xa5: {  	s26 =	simm.s32 $execute0_lowered;
	[smem:$0x3FD2] =	sst s25  }
0xa6: {  	s5 =	sshll.u32 s26, $0x1;
	_ =	strace $0x8000004C;
	[dreg:$0x1] =	wrdreg $0xFFFFFFFF  }
0xa7: {  	s28 =	simm.s32 $_size_execute0_lowered;
	s3 =	sadd.s32 s3, s5;
	[dreg:$0x0] =	wrdreg $0x0  }
0xa8: {  	s5 =	sshll.u32 s28, $0x1;
	[dreg:$0x2] =	wrdreg s3  }
0xa9: {  	[dreg:$0x3] =	wrdreg s5  }
0xaa: {  	[dreg:$0x4] =	wrdreg $0xC0  }
0xab: {  	_ =	task [dreg:s7], $0x5FFFF  }
0xac: {  	[dreg:$0x1] =	wrdreg $0xFFFFFFFF  }
0xad: {  	[dreg:$0x0] =	wrdreg $0x60  }
0xae: {  	[dreg:$0x2] =	wrdreg s24  }
0xaf: {  	[dreg:$0x3] =	wrdreg s2  }
0xb0: {  	[dreg:$0x4] =	wrdreg $0xA8000  }
0xb1: {  	[dreg:$0x5] =	wrdreg $0x9  }
0xb2: {  	_ =	task.clear_ibuf [dreg:s7], $0x6FFFF;
	_ =	strace $0x9000004C  }
0xb3: {  	s29 =	simm.s32 $0x9;
	_ =	strace $0x8000004E  }
0xb4: {  	_ =	swait.ge [sflag:s29], $0x1  }
0xb5: {  	[sflag:s29] =	ssyncadd.s32 $0xFFFFFFFF  }
0xb6: {  	_ =	strace $0x9000004E  }
0xb7: {  	_ =	sfence  }
0xb8: {  	s30 =	sld [smem:$0x0];
	_ =	sdelay $0x2  }
0xb9: {  	s31 =	sshll.u32 s1, $0xD;
	s1 =	sshrl.u32 s1, $0x2  }
0xba: {  	s3 =	sand.u32 $0x4000, s31;
	s1 =	sadd.s32 s1, s30  }
0xbb: {  	s0 =	sor.u32 s3, s0;
	s1 =	sshll.u32 s1, $0x11  }
0xbc: {  	s0 =	sor.u32 s1, s0  }
0xbd: {  	s0 =	sadd.s32 $0x8F2B, s0  }
0xbe: {  	[sflag:s0] =	ssyncadd.remote.s32 $0x1  }
0xbf: {  	_ =	sfence.sel $0xFFFF  }
0xc0: {  	[dreg:$0x0] =	wrdreg $0xFFFFFFFF;
	(pc) =	sbr.abs _section_cstart, $3  }
0xc1: {  	[dreg:$0x1] =	wrdreg $0xFFFFFFFF  }
0xc2: {  	_ =	task.clear_ibuf [dreg:s7], $0x2FFFF;
	_ =	strace $0x9FFFFFFF  }
0xc3: {  	(tm) =	ssettm $0x7FFFFFFF  }
tec
execute0_lowered:
.L_overlay_start_1:
0x0: {  	(tag) =	ssettag $0x1  }
0x1: {  	s5 =	rddreg [dreg:$0x0]  }
0x2: {  	s11 =	rddreg [dreg:$0x1]  }
0x3: {  	s2 =	rddreg [dreg:$0x2]  }
0x4: {  	s0 =	rddreg [dreg:$0x3]  }
0x5: {  	s1 =	stileid.u32;
	s4 =	srdreg.scid;
	s3 =	simm.s32 $0x0  }
0x6: {  	s16 =	simm.s32 $0x80;
	s17 =	simm.s32 $0x2800;
	s18 =	simm.s32 $0x6800  }
0x7: {  	s19 =	simm.s32 $0x1;
	s20 =	simm.s32 $0x1380;
	s21 =	simm.s32 $0x2700  }
0x8: {  	s22 =	simm.s32 $0x2780;
	s23 =	simm.s32 $0x0;
	s6 =	smul.u32 $0x13C00, s1  }
0x9: {  	s7 =	sand.u32 $0x1, s4;
	[smem:$0x7FF] =	sst s3;
	s4 =	sadd.s32 $0xD400, s5  }
0xa: {  	s12 =	sadd.s32 $0x3400, s5;
	s13 =	smul.u32 $0x4F000, s1;
	s14 =	sshll.u32 s1, $0x1  }
0xb: {  	s29 =	sshll.u32 s1, $0x6;
	s8 =	smul.u32 $0x13C000, s7;
	_ =	strace $0x8000004D  }
0xc: {  	s25 =	ssub.s32 $0x2, s7;
	s26 =	sor.u32 s7, s14;
	s14 =	simm.s32 $0x2  }
0xd: {  	s9 =	sshrl.u32 s6, $0x3;
	s10 =	sshrl.u32 s25, $0x1;
	s28 =	sshrl.u32 s13, $0x2  }
0xe: {  	s30 =	smul.u32 $0x500, s26;
	s6 =	sadd.s32 s6, s8;
	s24 =	sadd.s32 s9, s5  }
0xf: {  	s9 =	ssub.s32 s25, s10;
	s13 =	sadd.s32 s28, s2;
	s6 =	sshrl.u32 s6, $0x3  }
0x10: {  	s8 =	smax.u32 s9, $0x1;
	s31 =	sadd.s32 $0x280, s30;
	s9 =	sadd.s32 s11, s30  }
0x11: {  	s10 =	sadd.s32 s12, s30;
	s13 =	sshrl.u32 s13, $0x3;
	s15 =	sadd.s32 s6, s5  }
0x12: {  	s5 =	sadd.s32 $0x5B800, s24;
	s6 =	sor.u32 $0x1C02, s29;
	s11 =	sadd.s32 s11, s31  }
0x13: {  	s12 =	sadd.s32 s12, s31;
	s7 =	sadd.s32 $0xAA200, s15;
	s15 =	simm.s32 $0x1400  }
.LBB2_1:
0x14: {  	[spmem:s13], [sflag:s6] =	dma.local [hbm:s5], $0x2780  }
0x15: {  	_ =	swait.ge [sflag:s14], $0x2780  }
0x16: {  	[sflag:s14] =	ssyncset.done $0x0  }
0x17: {  	[sflag:s14] =	ssyncadd.s32 $0xFFFFD880  }
0x18: {  	[bflag:$0x0] =	sbarrier.arrive $0xFFFF  }
0x19: {  	[tilespmem:s3], [sflag:$0x2] =	stream.linear.gather [hbm4b:s9+s3], $0x1400, $0x38;
	[tilespmem:$0x1E400] =	vst v63  }
0x1a: {  	_ =	swait.ge [sflag:s14], $0x1400  }
0x1b: {  	[sflag:s14] =	ssyncset.done $0x0  }
0x1c: {  	[sflag:s14] =	ssyncadd.s32 $0xFFFFEC00  }
0x1d: {  	[tilespmem:s15], [sflag:$0x2] =	stream.linear.gather [hbm4b:s10+s3], $0x1400, $0x38;
	[tilespmem:$0x1E400] =	vst v63  }
0x1e: {  	_ =	swait.ge [sflag:s14], $0x1400  }
0x1f: {  	[sflag:s14] =	ssyncset.done $0x0  }
0x20: {  	[sflag:s14] =	ssyncadd.s32 $0xFFFFEC00  }
0x21: {  	[tilespmem:s17], [sflag:$0x1] =	stream.indirect.gather [hbm4b:s4+s16], $0x80, s3, s16, $0xb8;
	[tilespmem:$0x1E400] =	vst v63  }
0x22: {  	s24 =	simm.s32 $0x80  }
0x23: {  	[tilespmem:s18], [sflag:$0x1] =	stream.indirect.gather [hbm4b:s4+s16], $0x80, s24, s16, $0xb8;
	[tilespmem:$0x1E400] =	vst v63  }
0x24: {  	_ =	swait.ge [sflag:s19], $0x4000  }
0x25: {  	[sflag:s19] =	ssyncset.done $0x0  }
0x26: {  	s29 =	simm.s32 $0x1400;
	[sflag:s19] =	ssyncadd.s32 $0xFFFFC000  }
0x27: {  	[spmem:s2] =	stream.indirect.scatter.add.f32 [tilespmem:s17], [sflag:$0x2], $0x80, s29, s16, $0xb8;
	[tilespmem:$0x1E400] =	vst v63  }
0x28: {  	_ =	swait.ge [sflag:s14], $0x4000  }
0x29: {  	[sflag:s14] =	ssyncset.done $0x0  }
0x2a: {  	s30 =	simm.s32 $0x100;
	[sflag:s14] =	ssyncadd.s32 $0xFFFFC000  }
0x2b: {  	[tilespmem:s17], [sflag:$0x1] =	stream.indirect.gather [hbm4b:s4+s16], $0x80, s30, s16, $0xb8;
	[tilespmem:$0x1E400] =	vst v63  }
0x2c: {  	_ =	swait.ge [sflag:s19], $0x4000  }
0x2d: {  	[sflag:s19] =	ssyncset.done $0x0  }
0x2e: {  	s31 =	simm.s32 $0x1480;
	[sflag:s19] =	ssyncadd.s32 $0xFFFFC000  }
0x2f: {  	[spmem:s2] =	stream.indirect.scatter.add.f32 [tilespmem:s18], [sflag:$0x2], $0x80, s31, s16, $0xb8;
	[tilespmem:$0x1E400] =	vst v63  }
0x30: {  	_ =	swait.ge [sflag:s14], $0x4000  }
0x31: {  	s25 =	simm.s32 $0x800;
	s24 =	simm.s32 $0x100;
	[sflag:s14] =	ssyncset.done $0x0  }
.LBB2_2:
0x32: {  	s26 =	sadd.s32 $0x80, s24  }
0x33: {  	[sflag:s14] =	ssyncadd.s32 $0xFFFFC000;
	s28 =	smov.u32 s25;
	s29 =	sadd.s32 $0x400, s25  }
0x34: {  	[tilespmem:s18], [sflag:$0x1] =	stream.indirect.gather [hbm4b:s4+s16], $0x80, s26, s16, $0xb8;
	[tilespmem:$0x1E400] =	vst v63  }
0x35: {  	p0 =	sne.s32 s25, $0x4800;
	_ =	swait.ge [sflag:s19], $0x4000  }
0x36: {  	[sflag:s19] =	ssyncset.done $0x0  }
0x37: {  	s25 =	sadd.s32 $0x1400, s24;
	[sflag:s19] =	ssyncadd.s32 $0xFFFFC000  }
0x38: {  	[spmem:s2] =	stream.indirect.scatter.add.f32 [tilespmem:s17], [sflag:$0x2], $0x80, s25, s16, $0xb8;
	[tilespmem:$0x1E400] =	vst v63  }
0x39: {  	_ =	swait.ge [sflag:s14], $0x4000  }
0x3a: {  	[sflag:s14] =	ssyncset.done $0x0  }
0x3b: {  	s25 =	sadd.s32 $0x100, s24;
	[sflag:s14] =	ssyncadd.s32 $0xFFFFC000  }
0x3c: {  	[tilespmem:s17], [sflag:$0x1] =	stream.indirect.gather [hbm4b:s4+s16], $0x80, s25, s16, $0xb8;
	[tilespmem:$0x1E400] =	vst v63  }
0x3d: {  	_ =	swait.ge [sflag:s19], $0x4000  }
.Ltmp0:
0x3e: {  	[sflag:s19] =	ssyncset.done $0x0;
	(pc) =	sbr.rel @p0 .LBB2_2-.Ltmp0, $4  }
0x3f: {  	s24 =	sadd.s32 $0x1480, s24;
	[sflag:s19] =	ssyncadd.s32 $0xFFFFC000  }
0x40: {  	[spmem:s2] =	stream.indirect.scatter.add.f32 [tilespmem:s18], [sflag:$0x2], $0x80, s24, s16, $0xb8;
	[tilespmem:$0x1E400] =	vst v63  }
0x41: {  	_ =	swait.ge [sflag:s14], $0x4000  }
0x42: {  	s25 =	smov.u32 s29;
	s24 =	sshra.s32 s28, $0x2;
	[sflag:s14] =	ssyncset.done $0x0  }
0x43: {  	s25 =	sadd.s32 $0x80, s24;
	[sflag:s14] =	ssyncadd.s32 $0xFFFFC000  }
0x44: {  	[tilespmem:s18], [sflag:$0x1] =	stream.indirect.gather [hbm4b:s4+s16], $0x80, s25, s16, $0xb8;
	[tilespmem:$0x1E400] =	vst v63  }
0x45: {  	_ =	swait.ge [sflag:s19], $0x4000  }
0x46: {  	[sflag:s19] =	ssyncset.done $0x0  }
0x47: {  	s30 =	sadd.s32 $0x1400, s24;
	[sflag:s19] =	ssyncadd.s32 $0xFFFFC000  }
0x48: {  	[spmem:s2] =	stream.indirect.scatter.add.f32 [tilespmem:s17], [sflag:$0x2], $0x80, s30, s16, $0xb8;
	[tilespmem:$0x1E400] =	vst v63  }
0x49: {  	_ =	swait.ge [sflag:s14], $0x4000  }
0x4a: {  	[sflag:s14] =	ssyncset.done $0x0  }
0x4b: {  	s31 =	sadd.s32 $0x100, s24;
	[sflag:s14] =	ssyncadd.s32 $0xFFFFC000  }
0x4c: {  	[tilespmem:s17], [sflag:$0x1] =	stream.indirect.gather [hbm4b:s4+s16], $0x80, s31, s16, $0xb8;
	[tilespmem:$0x1E400] =	vst v63  }
0x4d: {  	_ =	swait.ge [sflag:s19], $0x4000  }
0x4e: {  	[sflag:s19] =	ssyncset.done $0x0  }
0x4f: {  	s25 =	sadd.s32 $0x1480, s24;
	[sflag:s19] =	ssyncadd.s32 $0xFFFFC000  }
0x50: {  	[spmem:s2] =	stream.indirect.scatter.add.f32 [tilespmem:s18], [sflag:$0x2], $0x80, s25, s16, $0xb8;
	[tilespmem:$0x1E400] =	vst v63  }
0x51: {  	_ =	swait.ge [sflag:s14], $0x4000  }
0x52: {  	[sflag:s14] =	ssyncset.done $0x0  }
0x53: {  	[sflag:s14] =	ssyncadd.s32 $0xFFFFC000  }
0x54: {  	[tilespmem:s18], [sflag:$0x1] =	stream.indirect.gather [hbm4b:s4+s16], $0x80, s20, s16, $0xb8;
	[tilespmem:$0x1E400] =	vst v63  }
0x55: {  	_ =	swait.ge [sflag:s19], $0x4000  }
0x56: {  	[sflag:s19] =	ssyncset.done $0x0  }
0x57: {  	[sflag:s19] =	ssyncadd.s32 $0xFFFFC000  }
0x58: {  	[spmem:s2] =	stream.indirect.scatter.add.f32 [tilespmem:s17], [sflag:$0x2], $0x80, s21, s16, $0xb8;
	[tilespmem:$0x1E400] =	vst v63  }
0x59: {  	_ =	swait.ge [sflag:s14], $0x4000  }
0x5a: {  	[sflag:s14] =	ssyncset.done $0x0  }
0x5b: {  	[sflag:s14] =	ssyncadd.s32 $0xFFFFC000  }
0x5c: {  	_ =	swait.ge [sflag:s19], $0x4000  }
0x5d: {  	[sflag:s19] =	ssyncset.done $0x0  }
0x5e: {  	[sflag:s19] =	ssyncadd.s32 $0xFFFFC000  }
0x5f: {  	[spmem:s2] =	stream.indirect.scatter.add.f32 [tilespmem:s18], [sflag:$0x2], $0x80, s22, s16, $0xb8;
	[tilespmem:$0x1E400] =	vst v63  }
0x60: {  	_ =	swait.ge [sflag:s14], $0x4000  }
0x61: {  	[sflag:s14] =	ssyncset.done $0x0  }
0x62: {  	s26 =	simm.s32 $0x0;
	[sflag:s14] =	ssyncadd.s32 $0xFFFFC000  }
0x63: {  	[tilespmem:s26], [sflag:$0x2] =	stream.linear.gather [hbm4b:s11+s26], $0x1400, $0x38;
	[tilespmem:$0x1E400] =	vst v63  }
0x64: {  	_ =	swait.ge [sflag:s14], $0x1400  }
0x65: {  	[sflag:s14] =	ssyncset.done $0x0  }
0x66: {  	[sflag:s14] =	ssyncadd.s32 $0xFFFFEC00  }
0x67: {  	[tilespmem:s15], [sflag:$0x2] =	stream.linear.gather [hbm4b:s12+s26], $0x1400, $0x38;
	[tilespmem:$0x1E400] =	vst v63  }
0x68: {  	_ =	swait.ge [sflag:s14], $0x1400  }
0x69: {  	[sflag:s14] =	ssyncset.done $0x0  }
0x6a: {  	[sflag:s14] =	ssyncadd.s32 $0xFFFFEC00  }
0x6b: {  	[tilespmem:s17], [sflag:$0x1] =	stream.indirect.gather [hbm4b:s4+s16], $0x80, s26, s16, $0xb8;
	[tilespmem:$0x1E400] =	vst v63  }
0x6c: {  	s28 =	simm.s32 $0x80  }
0x6d: {  	[tilespmem:s18], [sflag:$0x1] =	stream.indirect.gather [hbm4b:s4+s16], $0x80, s28, s16, $0xb8;
	[tilespmem:$0x1E400] =	vst v63  }
0x6e: {  	_ =	swait.ge [sflag:s19], $0x4000  }
0x6f: {  	[sflag:s19] =	ssyncset.done $0x0  }
0x70: {  	s29 =	simm.s32 $0x1400;
	[sflag:s19] =	ssyncadd.s32 $0xFFFFC000  }
0x71: {  	[spmem:s2] =	stream.indirect.scatter.add.f32 [tilespmem:s17], [sflag:$0x2], $0x80, s29, s16, $0xb8;
	[tilespmem:$0x1E400] =	vst v63  }
0x72: {  	_ =	swait.ge [sflag:s14], $0x4000  }
0x73: {  	[sflag:s14] =	ssyncset.done $0x0  }
0x74: {  	s30 =	simm.s32 $0x100;
	[sflag:s14] =	ssyncadd.s32 $0xFFFFC000  }
0x75: {  	[tilespmem:s17], [sflag:$0x1] =	stream.indirect.gather [hbm4b:s4+s16], $0x80, s30, s16, $0xb8;
	[tilespmem:$0x1E400] =	vst v63  }
0x76: {  	_ =	swait.ge [sflag:s19], $0x4000  }
0x77: {  	[sflag:s19] =	ssyncset.done $0x0  }
0x78: {  	s31 =	simm.s32 $0x1480;
	[sflag:s19] =	ssyncadd.s32 $0xFFFFC000  }
0x79: {  	[spmem:s2] =	stream.indirect.scatter.add.f32 [tilespmem:s18], [sflag:$0x2], $0x80, s31, s16, $0xb8;
	[tilespmem:$0x1E400] =	vst v63  }
0x7a: {  	_ =	swait.ge [sflag:s14], $0x4000  }
0x7b: {  	s24 =	simm.s32 $0x100;
	s25 =	simm.s32 $0x800;
	[sflag:s14] =	ssyncset.done $0x0  }
.LBB2_4:
0x7c: {  	s26 =	sadd.s32 $0x80, s24  }
0x7d: {  	[sflag:s14] =	ssyncadd.s32 $0xFFFFC000;
	s28 =	smov.u32 s25;
	s29 =	sadd.s32 $0x400, s25  }
0x7e: {  	[tilespmem:s18], [sflag:$0x1] =	stream.indirect.gather [hbm4b:s4+s16], $0x80, s26, s16, $0xb8;
	[tilespmem:$0x1E400] =	vst v63  }
0x7f: {  	p0 =	sne.s32 s25, $0x4800;
	_ =	swait.ge [sflag:s19], $0x4000  }
0x80: {  	[sflag:s19] =	ssyncset.done $0x0  }
0x81: {  	s25 =	sadd.s32 $0x1400, s24;
	[sflag:s19] =	ssyncadd.s32 $0xFFFFC000  }
0x82: {  	[spmem:s2] =	stream.indirect.scatter.add.f32 [tilespmem:s17], [sflag:$0x2], $0x80, s25, s16, $0xb8;
	[tilespmem:$0x1E400] =	vst v63  }
0x83: {  	_ =	swait.ge [sflag:s14], $0x4000  }
0x84: {  	[sflag:s14] =	ssyncset.done $0x0  }
0x85: {  	s25 =	sadd.s32 $0x100, s24;
	[sflag:s14] =	ssyncadd.s32 $0xFFFFC000  }
0x86: {  	[tilespmem:s17], [sflag:$0x1] =	stream.indirect.gather [hbm4b:s4+s16], $0x80, s25, s16, $0xb8;
	[tilespmem:$0x1E400] =	vst v63  }
0x87: {  	_ =	swait.ge [sflag:s19], $0x4000  }
.Ltmp1:
0x88: {  	[sflag:s19] =	ssyncset.done $0x0;
	(pc) =	sbr.rel @p0 .LBB2_4-.Ltmp1, $4  }
0x89: {  	s24 =	sadd.s32 $0x1480, s24;
	[sflag:s19] =	ssyncadd.s32 $0xFFFFC000  }
0x8a: {  	[spmem:s2] =	stream.indirect.scatter.add.f32 [tilespmem:s18], [sflag:$0x2], $0x80, s24, s16, $0xb8;
	[tilespmem:$0x1E400] =	vst v63  }
0x8b: {  	_ =	swait.ge [sflag:s14], $0x4000  }
0x8c: {  	s25 =	smov.u32 s29;
	s24 =	sshra.s32 s28, $0x2;
	[sflag:s14] =	ssyncset.done $0x0  }
0x8d: {  	s25 =	sadd.s32 $0x80, s24;
	[sflag:s14] =	ssyncadd.s32 $0xFFFFC000  }
0x8e: {  	[tilespmem:s18], [sflag:$0x1] =	stream.indirect.gather [hbm4b:s4+s16], $0x80, s25, s16, $0xb8;
	[tilespmem:$0x1E400] =	vst v63  }
0x8f: {  	_ =	swait.ge [sflag:s19], $0x4000  }
0x90: {  	[sflag:s19] =	ssyncset.done $0x0  }
0x91: {  	s29 =	sadd.s32 $0x1400, s24;
	[sflag:s19] =	ssyncadd.s32 $0xFFFFC000  }
0x92: {  	[spmem:s2] =	stream.indirect.scatter.add.f32 [tilespmem:s17], [sflag:$0x2], $0x80, s29, s16, $0xb8;
	[tilespmem:$0x1E400] =	vst v63  }
0x93: {  	_ =	swait.ge [sflag:s14], $0x4000  }
0x94: {  	[sflag:s14] =	ssyncset.done $0x0  }
0x95: {  	s30 =	sadd.s32 $0x100, s24;
	[sflag:s14] =	ssyncadd.s32 $0xFFFFC000  }
0x96: {  	[tilespmem:s17], [sflag:$0x1] =	stream.indirect.gather [hbm4b:s4+s16], $0x80, s30, s16, $0xb8;
	[tilespmem:$0x1E400] =	vst v63  }
0x97: {  	_ =	swait.ge [sflag:s19], $0x4000  }
0x98: {  	[sflag:s19] =	ssyncset.done $0x0  }
0x99: {  	s31 =	sadd.s32 $0x1480, s24;
	[sflag:s19] =	ssyncadd.s32 $0xFFFFC000  }
0x9a: {  	[spmem:s2] =	stream.indirect.scatter.add.f32 [tilespmem:s18], [sflag:$0x2], $0x80, s31, s16, $0xb8;
	[tilespmem:$0x1E400] =	vst v63  }
0x9b: {  	_ =	swait.ge [sflag:s14], $0x4000  }
0x9c: {  	[sflag:s14] =	ssyncset.done $0x0  }
0x9d: {  	[sflag:s14] =	ssyncadd.s32 $0xFFFFC000  }
0x9e: {  	[tilespmem:s18], [sflag:$0x1] =	stream.indirect.gather [hbm4b:s4+s16], $0x80, s20, s16, $0xb8;
	[tilespmem:$0x1E400] =	vst v63  }
0x9f: {  	_ =	swait.ge [sflag:s19], $0x4000  }
0xa0: {  	[sflag:s19] =	ssyncset.done $0x0  }
0xa1: {  	[sflag:s19] =	ssyncadd.s32 $0xFFFFC000  }
0xa2: {  	[spmem:s2] =	stream.indirect.scatter.add.f32 [tilespmem:s17], [sflag:$0x2], $0x80, s21, s16, $0xb8;
	[tilespmem:$0x1E400] =	vst v63  }
0xa3: {  	_ =	swait.ge [sflag:s14], $0x4000  }
0xa4: {  	[sflag:s14] =	ssyncset.done $0x0  }
0xa5: {  	[sflag:s14] =	ssyncadd.s32 $0xFFFFC000  }
0xa6: {  	_ =	swait.ge [sflag:s19], $0x4000  }
0xa7: {  	[sflag:s19] =	ssyncset.done $0x0  }
0xa8: {  	[sflag:s19] =	ssyncadd.s32 $0xFFFFC000  }
0xa9: {  	[spmem:s2] =	stream.indirect.scatter.add.f32 [tilespmem:s18], [sflag:$0x2], $0x80, s22, s16, $0xb8;
	[tilespmem:$0x1E400] =	vst v63  }
0xaa: {  	_ =	swait.ge [sflag:s14], $0x4000  }
0xab: {  	s23 =	sadd.s32 $0x1, s23;
	[sflag:s14] =	ssyncset.done $0x0  }
0xac: {  	p0 =	sne.s32 s23, s8;
	[sflag:s14] =	ssyncadd.s32 $0xFFFFC000  }
.Ltmp2:
0xad: {  	[bflag:$0x0] =	sbarrier.arrive $0xFFFF;
	(pc) =	sbr.rel @p0 .LBB2_1-.Ltmp2, $4  }
0xae: {  	[hbm:s7], [sflag:s6] =	dma.local [spmem:s13], $0x2780  }
0xaf: {  	_ =	swait.ge [sflag:s14], $0x2780  }
0xb0: {  	[sflag:s14] =	ssyncset.done $0x0  }
0xb1: {  	[sflag:s14] =	ssyncadd.s32 $0xFFFFD880  }
0xb2: {  	_ =	sfence.sel $0x180000  }
0xb3: {  	[bflag:$0x0] =	sbarrier.arrive $0xFFFF  }
0xb4: {  	p0 =	sne.s32 s1, $0x0;
	_ =	strace $0x9000004D  }
0xb5: {  	s0 =	sadd.s32 @!p0 $0x100000, s0;
	[bflag:$0x2] =	sbarrier.arrive $0xFFFF  }
0xb6: {  	[sflag:s0] =	ssyncadd.tile.s32 @!p0 $0x1;
	_ =	shalt  }
.Lfunc_end2:
_tile_overlayer_lowered:
.L_overlay_start_2:
0xb7: {  	(tag) =	ssettag $0x2  }
0xb8: {  	s0 =	rddreg [dreg:$0x0];
	s2 =	stileid.u32  }
0xb9: {  	s1 =	rddreg [dreg:$0x1];
	p0 =	sne.s32 s2, $0x0  }
0xba: {  	s3 =	rddreg [dreg:$0x2];
	[bflag:$0x3] =	sbarrier.arrive $0xFFFF;
	s2 =	simm.s32 @!p0 $0x1C02  }
0xbb: {  	[timem:s3], [sflag:s2] =	dma.local @!p0 [hbm:s0], s1  }
0xbc: {  	s0 =	simm.s32 @!p0 $0x2  }
0xbd: {  	_ =	swait.ge @!p0 [sflag:s0], s1  }
0xbe: {  	s1 =	ssub.s32 @!p0 $0x0, s1;
	[sflag:s0] =	ssyncset.done @!p0 $0x0  }
0xbf: {  	[sflag:s0] =	ssyncadd.s32 @!p0 s1  }
0xc0: {  	[bflag:$0x3] =	sbarrier.arrive $0xFFFF  }
0xc1: {  	_ =	shalt  }

// kernel: kernel.8.cloned.1.call-start
scs
__scs_entry_jumppad:
0x0: {  	(pc) =	sbr.rel $0x88, $3  }
0x1: {  	(tag) =	ssettag $0x0;
	lr =	simm.s32 $0x1  }
0x2: {  	[smem:$0x3F99] =	sst lr;
	_ =	strace $0xD0000000  }
0x3: {  	_ = 	snop  }
0x4: {  	_ = 	snop  }
0x5: {  	_ = 	snop  }
0x6: {  	_ = 	snop  }
0x7: {  	_ = 	snop  }
__scs_overlays_trampoline_lowered:
0x8: {  	[smem:$0x3FA8] =	sst s0  }
0x9: {  	[smem:$0x3FA9] =	sst s1  }
0xa: {  	[smem:$0x3FAA] =	sst s2  }
0xb: {  	[smem:$0x3FAB] =	sst s3  }
0xc: {  	[smem:$0x3FAC] =	sst s4  }
0xd: {  	[smem:$0x3FAD] =	sst s5  }
0xe: {  	[smem:$0x3FAE] =	sst s6  }
0xf: {  	[smem:$0x3FAF] =	sst s7  }
0x10: {  	[smem:$0x3FB0] =	sst s8  }
0x11: {  	[smem:$0x3FB1] =	sst s9;
	s0 =	simm.s32 @!p0 $0x0  }
0x12: {  	s1 =	sld [smem:$0x3F97];
	s0 =	simm.s32 @p0 $0x1  }
0x13: {  	[smem:$0x3FB2] =	sst s0;
	s0 =	simm.s32 @!p1 $0x0  }
0x14: {  	s2 =	sld [smem:$0x3F96];
	s0 =	simm.s32 @p1 $0x1  }
0x15: {  	[smem:$0x3FB3] =	sst s0;
	s0 =	simm.s32 @!p2 $0x0  }
0x16: {  	s3 =	sld [smem:$0x3FDB];
	s0 =	simm.s32 @p2 $0x1  }
0x17: {  	s4 =	simm.s32 $0x1BF5;
	[smem:$0x3FB5] =	sst s0  }
0x18: {  	s0 =	sld [smem:$0x3F98];
	_ =	swait.ge [sflag:s4], $0x0  }
0x19: {  	s7 =	sld [smem:$0x3F99]  }
0x1a: {  	s8 =	sadd.s32 $0xFFFFE003, lr  }
0x1b: {  	s9 =	sadd.s32 $0xFFFFFEF7, lr;
	s5 =	simm.s32 $0xFFFFFFFF;
	p2 =	slt.u32 s8, $0xFFFFF086  }
0x1c: {  	p1 =	slt.u32 s9, $0xF7A;
	s5 =	simm.s32 @!p2 $0x0  }
0x1d: {  	s5 =	simm.s32 @p1 $0x1;
	p0 =	seq.s32 s7, s2  }
0x1e: {  	s7 =	smul.u32 @!p0 $0xF7A, s2;
	p2 =	seq.s32 @!p0 s5, $0x0  }
0x1f: {  	s9 =	smul.u32 $0xF7A, s1;
	s8 =	simm.s32 @!p0 $0x1BF5;
	p2 =	por !p2, p0  }
0x20: {  	[sflag:s8] =	ssyncset.s32 @!p0 $0xFFFFF086;
	s6 =	sadd.s32 @!p0 s3, s7;
	s7 =	simm.s32 @!p0 $0x108  }
0x21: {  	s3 =	sadd.s32 s3, s9;
	s6 =	sadd.s32 @!p0 $0x88, s6;
	s7 =	simm.s32 @p2 $0x1082  }
0x22: {  	[simem:s7], [sflag:s8] =	dma.local @!p0 [hbm:s6], $0xF7A  }
0x23: {  	s9 =	sor.u32 $0xD0000000, s2;
	s6 =	simm.s32 $0x108;
	_ =	swait.ge @!p0 [sflag:s8], $0x0  }
0x24: {  	s3 =	sadd.s32 $0x88, s3;
	s6 =	simm.s32 @!p1 $0x1082;
	[sflag:s4] =	ssyncset.s32 $0xFFFFF086  }
0x25: {  	[simem:s6], [sflag:s4] =	dma.local [hbm:s3], $0xF7A  }
0x26: {  	[smem:$0x3F99] =	sst s1;
	(tag) =	ssettag s2;
	_ =	strace s9  }
0x27: {  	s1 =	sld [smem:$0x3FA9]  }
0x28: {  	s2 =	sld [smem:$0x3FAA]  }
0x29: {  	s4 =	sld [smem:$0x3FAC]  }
0x2a: {  	p0 =	seq.s32 s5, $0x0;
	s5 =	sld [smem:$0x3FAD]  }
0x2b: {  	s6 =	sld [smem:$0x3FAE]  }
0x2c: {  	s7 =	sld [smem:$0x3FAF]  }
0x2d: {  	s3 =	simm.s32 $0x108;
	s8 =	sld [smem:$0x3FB0]  }
0x2e: {  	s3 =	simm.s32 @!p0 $0x1082;
	s9 =	sld [smem:$0x3FB1]  }
0x2f: {  	lr =	sadd.s32 s0, s3;
	s0 =	sld [smem:$0x3FA8]  }
0x30: {  	s3 =	sld [smem:$0x3FAB]  }
0x31: {  	[smem:$0x3FB4] =	sst s10  }
0x32: {  	s10 =	sld [smem:$0x3FB2];
	_ =	sdelay $0x3  }
0x33: {  	p0 =	seq.s32 s10, $0x1;
	s10 =	sld [smem:$0x3FB4];
	_ =	sdelay $0x3  }
0x34: {  	[smem:$0x3FB4] =	sst s10  }
0x35: {  	s10 =	sld [smem:$0x3FB3];
	_ =	sdelay $0x3  }
0x36: {  	p1 =	seq.s32 s10, $0x1;
	s10 =	sld [smem:$0x3FB4];
	_ =	sdelay $0x3  }
0x37: {  	[smem:$0x3FB4] =	sst s10  }
0x38: {  	s10 =	sld [smem:$0x3FB5]  }
0x39: {  	_ = 	snop;
	(pc) =	sbr.ind lr, $3  }
0x3a: {  	_ = 	snop  }
0x3b: {  	_ = 	snop  }
0x3c: {  	p2 =	seq.s32 s10, $0x1;
	s10 =	sld [smem:$0x3FB4]  }
0x3d: {  	_ =	shalt  }
0x3e: {  	_ =	shalt  }
0x3f: {  	_ =	shalt  }
0x40: {  	_ =	shalt  }
0x41: {  	_ =	shalt  }
0x42: {  	_ =	shalt  }
0x43: {  	_ =	shalt  }
0x44: {  	_ =	shalt  }
0x45: {  	_ =	shalt  }
0x46: {  	_ =	shalt  }
0x47: {  	_ =	shalt  }
0x48: {  	_ =	shalt  }
0x49: {  	_ =	shalt  }
0x4a: {  	_ =	shalt  }
0x4b: {  	_ =	shalt  }
0x4c: {  	_ =	shalt  }
0x4d: {  	_ =	shalt  }
0x4e: {  	_ =	shalt  }
0x4f: {  	_ =	shalt  }
0x50: {  	_ =	shalt  }
0x51: {  	_ =	shalt  }
0x52: {  	_ =	shalt  }
0x53: {  	_ =	shalt  }
0x54: {  	_ =	shalt  }
0x55: {  	_ =	shalt  }
0x56: {  	_ =	shalt  }
0x57: {  	_ =	shalt  }
0x58: {  	_ =	shalt  }
0x59: {  	_ =	shalt  }
0x5a: {  	_ =	shalt  }
0x5b: {  	_ =	shalt  }
0x5c: {  	_ =	shalt  }
0x5d: {  	_ =	shalt  }
0x5e: {  	_ =	shalt  }
0x5f: {  	_ =	shalt  }
0x60: {  	_ =	shalt  }
0x61: {  	_ =	shalt  }
0x62: {  	_ =	shalt  }
0x63: {  	_ =	shalt  }
0x64: {  	_ =	shalt  }
0x65: {  	_ =	shalt  }
0x66: {  	_ =	shalt  }
0x67: {  	_ =	shalt  }
0x68: {  	_ =	shalt  }
0x69: {  	_ =	shalt  }
0x6a: {  	_ =	shalt  }
0x6b: {  	_ =	shalt  }
0x6c: {  	_ =	shalt  }
0x6d: {  	_ =	shalt  }
0x6e: {  	_ =	shalt  }
0x6f: {  	_ =	shalt  }
0x70: {  	_ =	shalt  }
0x71: {  	_ =	shalt  }
0x72: {  	_ =	shalt  }
0x73: {  	_ =	shalt  }
0x74: {  	_ =	shalt  }
0x75: {  	_ =	shalt  }
0x76: {  	_ =	shalt  }
0x77: {  	_ =	shalt  }
0x78: {  	_ =	shalt  }
0x79: {  	_ =	shalt  }
0x7a: {  	_ =	shalt  }
0x7b: {  	_ =	shalt  }
0x7c: {  	_ =	shalt  }
0x7d: {  	_ =	shalt  }
0x7e: {  	_ =	shalt  }
0x7f: {  	_ =	shalt  }
0x80: {  	_ =	shalt  }
0x81: {  	_ =	shalt  }
0x82: {  	_ =	shalt  }
0x83: {  	_ =	shalt  }
0x84: {  	_ =	shalt  }
0x85: {  	_ =	shalt  }
0x86: {  	_ =	shalt  }
0x87: {  	_ =	shalt  }
.Lfunc_end0:
.L_simem_size_0:
called_computation_lowered:
.L_overlay_start_0:
0x88: {  	s2 =	sld [smem:$0x3FD9]  }
0x89: {  	s3 =	sld [smem:$0x3FFE];
	_ =	sdelay $0x1  }
0x8a: {  	s1 =	srdreg.scid  }
0x8b: {  	s0 =	sand.u32 $0x1, s1  }
0x8c: {  	s16 =	sshll.u32 s0, $0xA;
	s2 =	sadd.s32 s3, s2  }
0x8d: {  	s2 =	sadd.s32 s2, s16  }
0x8e: {  	[smem:$0x3FC0] =	sst s2  }
0x8f: {  	_ = 	snop  }
0x90: {  	(tm) =	ssettm $0x1  }
0x91: {  	s17 =	sld [smem:$0x3FFB];
	_ =	sdelay $0x3  }
0x92: {  	_ =	strace s17  }
0x93: {  	s2 =	sld [smem:$0x3FFC];
	_ =	sdelay $0x3  }
0x94: {  	_ =	strace s2  }
0x95: {  	s2 =	sld [smem:$0x3FFD];
	_ =	sdelay $0x3  }
0x96: {  	_ =	strace s2  }
0x97: {  	_ =	strace $0x8FFFFFFF  }
0x98: {  	s18 =	sld [smem:$0x3FDB];
	_ =	sdelay $0x1  }
0x99: {  	s19 =	simm.s32 $_scs_section_size  }
0x9a: {  	s4 =	simm.s32 $_size__tile_overlayer_lowered;
	s5 =	simm.s32 $_tile_overlayer_lowered  }
0x9b: {  	s22 =	simm.s32 $0x1BFF;
	s21 =	sshll.u32 s5, $0x1;
	s2 =	sadd.s32 s19, s18  }
0x9c: {  	s6 =	simm.s32 $0x0;
	s20 =	sshll.u32 s4, $0x1;
	s4 =	sadd.s32 s21, s2  }
0x9d: {  	[timem:s6], [sflag:s22] =	dma.local [hbm:s4], s20  }
0x9e: {  	_ =	swait.ge [sflag:s22], s20  }
0x9f: {  	s3 =	ssub.s32 $0x0, s20;
	[sflag:s22] =	ssyncset.done $0x0  }
0xa0: {  	[sflag:s22] =	ssyncadd.s32 s3;
	_ =	sdelay $0x1  }
0xa1: {  	s23 =	simm.s32 $0x1B8B  }
0xa2: {  	_ =	swait.ge [sflag:s23], $0x1  }
0xa3: {  	[sflag:s23] =	ssyncset.done $0x0  }
0xa4: {  	s25 =	simm.s32 $0x1B8E;
	s24 =	sld [smem:$0x3FFE];
	[sflag:s23] =	ssyncadd.s32 $0xFFFFFFFF  }
0xa5: {  	s26 =	simm.s32 $execute0_lowered;
	[smem:$0x3FD2] =	sst s25  }
0xa6: {  	s4 =	sshll.u32 s26, $0x1;
	_ =	strace $0x80000046;
	[dreg:$0x1] =	wrdreg $0xFFFFFFFF  }
0xa7: {  	s28 =	simm.s32 $_size_execute0_lowered;
	s2 =	sadd.s32 s2, s4;
	[dreg:$0x0] =	wrdreg $0x0  }
0xa8: {  	s4 =	sshll.u32 s28, $0x1;
	[dreg:$0x2] =	wrdreg s2  }
0xa9: {  	[dreg:$0x3] =	wrdreg s4  }
0xaa: {  	[dreg:$0x4] =	wrdreg $0xC0  }
0xab: {  	_ =	task [dreg:s6], $0x5FFFF  }
0xac: {  	[dreg:$0x1] =	wrdreg $0xFFFFFFFF  }
0xad: {  	[dreg:$0x0] =	wrdreg $0x60  }
0xae: {  	[dreg:$0x2] =	wrdreg s24  }
0xaf: {  	[dreg:$0x3] =	wrdreg $0x28800  }
0xb0: {  	[dreg:$0x4] =	wrdreg $0x9  }
0xb1: {  	_ =	task.clear_ibuf [dreg:s6], $0x5FFFF;
	_ =	strace $0x90000046  }
0xb2: {  	s29 =	simm.s32 $0x9;
	_ =	strace $0x80000048  }
0xb3: {  	_ =	swait.ge [sflag:s29], $0x1  }
0xb4: {  	[sflag:s29] =	ssyncadd.s32 $0xFFFFFFFF  }
0xb5: {  	_ =	strace $0x90000048  }
0xb6: {  	_ =	sfence  }
0xb7: {  	s30 =	sld [smem:$0x0];
	_ =	sdelay $0x2  }
0xb8: {  	s31 =	sshll.u32 s1, $0xD;
	s1 =	sshrl.u32 s1, $0x2  }
0xb9: {  	s3 =	sand.u32 $0x4000, s31;
	s1 =	sadd.s32 s1, s30  }
0xba: {  	s0 =	sor.u32 s3, s0;
	s1 =	sshll.u32 s1, $0x11  }
0xbb: {  	s0 =	sor.u32 s1, s0  }
0xbc: {  	s0 =	sadd.s32 $0x8F2B, s0  }
0xbd: {  	[sflag:s0] =	ssyncadd.remote.s32 $0x1  }
0xbe: {  	_ =	sfence.sel $0xFFFF  }
0xbf: {  	[dreg:$0x0] =	wrdreg $0xFFFFFFFF;
	(pc) =	sbr.abs _section_cstart, $3  }
0xc0: {  	[dreg:$0x1] =	wrdreg $0xFFFFFFFF  }
0xc1: {  	_ =	task.clear_ibuf [dreg:s6], $0x2FFFF;
	_ =	strace $0x9FFFFFFF  }
0xc2: {  	(tm) =	ssettm $0x7FFFFFFF  }
0xc3: {  	_ =	shalt  }
tec
execute0_lowered:
.L_overlay_start_1:
0x0: {  	(tag) =	ssettag $0x1  }
0x1: {  	s0 =	srdreg.scid;
	s5 =	rddreg [dreg:$0x0]  }
0x2: {  	s7 =	stileid.u32;
	s1 =	rddreg [dreg:$0x1];
	s2 =	simm.s32 $0x0  }
0x3: {  	s11 =	simm.s32 $0x80;
	s4 =	sand.u32 $0x1, s0;
	s0 =	rddreg [dreg:$0x2]  }
0x4: {  	s12 =	simm.s32 $0x0;
	s31 =	sshll.u32 s7, $0x1;
	[smem:$0x7FF] =	sst s2  }
0x5: {  	p0 =	sne.s32 s7, $0x0;
	s3 =	sor.u32 s4, s31;
	_ =	strace $0x80000047  }
0x6: {  	s8 =	ssub.s32 $0x2, s4;
	s9 =	sshll.u32 s4, $0x4;
	s3 =	smul.u32 $0x500, s3  }
0x7: {  	s4 =	sadd.s32 $0xDA00, s5;
	s10 =	sshrl.u32 s8, $0x1;
	s9 =	sadd.s32 s9, s5  }
0x8: {  	s8 =	ssub.s32 s8, s10;
	s10 =	simm.s32 $0x1;
	s6 =	sadd.s32 s3, s5  }
0x9: {  	s3 =	sadd.s32 $0xD400, s5;
	s7 =	smax.u32 s8, $0x1;
	s8 =	sshrl.u32 @!p0 s1, $0x3  }
0xa: {  	s5 =	sadd.s32 $0x3400, s6;
	s6 =	sadd.s32 $0xDC00, s9;
	s9 =	simm.s32 $0x2800  }
.LBB2_1:
0xb: {  	s13 =	simm.s32 @!p0 $0x1C01  }
0xc: {  	[spmem:s8], [sflag:s13] =	dma.local @!p0 [hbm:s3], $0x4F0  }
0xd: {  	s13 =	simm.s32 @!p0 $0x1  }
0xe: {  	_ =	swait.ge @!p0 [sflag:s13], $0x4F0  }
0xf: {  	[sflag:s13] =	ssyncset.done @!p0 $0x0  }
0x10: {  	[sflag:s13] =	ssyncadd.s32 @!p0 $0xFFFFFB10  }
0x11: {  	[tilespmem:s9], [sflag:$0x1] =	stream.linear.gather [hbm4b:s4+s2], $0x80, $0x38;
	[tilespmem:$0x2AF8] =	vst v63  }
0x12: {  	_ =	swait.ge [sflag:s10], $0x80  }
0x13: {  	[sflag:s10] =	ssyncset.done $0x0  }
0x14: {  	[sflag:s10] =	ssyncadd.s32 $0xFFFFFF80  }
0x15: {  	[tilespmem:s2], [sflag:$0x1] =	stream.linear.gather [hbm4b:s5+s2], $0x2800, $0x38;
	[tilespmem:$0x2AF8] =	vst v63  }
0x16: {  	_ =	swait.ge [sflag:s10], $0x2800  }
0x17: {  	[sflag:s10] =	ssyncset.done $0x0  }
0x18: {  	[sflag:s10] =	ssyncadd.s32 $0xFFFFD800  }
0x19: {  	s31 =	simm.s32 $0x0;
	[bflag:$0x0] =	sbarrier.arrive $0xFFFF  }
0x1a: {  	[spmem:s1] =	stream.indirect.scatter.add.f32 [tilespmem:s9], [sflag:$0x1], $0x1, s31, s11, $0xb8;
	[tilespmem:$0x2AF8] =	vst v63  }
0x1b: {  	_ =	swait.ge [sflag:s10], $0x80  }
0x1c: {  	s13 =	simm.s32 $0x200;
	[sflag:s10] =	ssyncset.done $0x0  }
.LBB2_2:
0x1d: {  	s14 =	sshra.s32 s13, $0x2;
	[sflag:s10] =	ssyncadd.s32 $0xFFFFFF80;
	p1 =	sne.s32 s13, $0x9E00  }
0x1e: {  	[spmem:s1] =	stream.indirect.scatter.add.f32 [tilespmem:s9], [sflag:$0x1], $0x1, s14, s11, $0xb8;
	[tilespmem:$0x2AF8] =	vst v63  }
.Ltmp0:
0x1f: {  	_ = 	snop;
	(pc) =	sbr.rel @p1 .LBB2_2-.Ltmp0, $4  }
0x20: {  	_ = 	snop  }
0x21: {  	s13 =	sadd.s32 $0x200, s13  }
0x22: {  	_ =	swait.ge [sflag:s10], $0x80  }
0x23: {  	[sflag:s10] =	ssyncset.done $0x0  }
0x24: {  	[sflag:s10] =	ssyncadd.s32 $0xFFFFFF80;
	s13 =	simm.s32 @!p0 $0x1;
	s12 =	sadd.s32 $0x1, s12  }
0x25: {  	s14 =	simm.s32 @!p0 $0x20;
	s15 =	simm.s32 @!p0 $0x10;
	p1 =	sne.s32 s12, s7  }
.Ltmp1:
0x26: {  	s16 =	simm.s32 @!p0 $0x1C01;
	[bflag:$0x0] =	sbarrier.arrive $0xFFFF;
	(pc) =	sbr.rel @p1 .LBB2_1-.Ltmp1, $4  }
0x27: {  	[hbm:s6@s14], [sflag:s16] =	dma.strided @!p0 [spmem:s8@s15], $0x4F0, s13, $0x10   }
0x28: {  	_ =	swait.ge @!p0 [sflag:s13], $0x4F0  }
0x29: {  	[sflag:s13] =	ssyncset.done @!p0 $0x0  }
0x2a: {  	[sflag:s13] =	ssyncadd.s32 @!p0 $0xFFFFFB10  }
0x2b: {  	_ =	sfence.sel $0x180000  }
0x2c: {  	[bflag:$0x0] =	sbarrier.arrive $0xFFFF  }
0x2d: {  	_ =	strace $0x90000047  }
0x2e: {  	s0 =	sadd.s32 @!p0 $0x100000, s0;
	[bflag:$0x2] =	sbarrier.arrive $0xFFFF  }
0x2f: {  	[sflag:s0] =	ssyncadd.tile.s32 @!p0 $0x1;
	_ =	shalt  }
.Lfunc_end2:
_tile_overlayer_lowered:
.L_overlay_start_2:
0x30: {  	(tag) =	ssettag $0x2  }
0x31: {  	s0 =	rddreg [dreg:$0x0];
	s2 =	stileid.u32  }
0x32: {  	s1 =	rddreg [dreg:$0x1];
	p0 =	sne.s32 s2, $0x0  }
0x33: {  	s3 =	rddreg [dreg:$0x2];
	[bflag:$0x3] =	sbarrier.arrive $0xFFFF;
	s2 =	simm.s32 @!p0 $0x1C01  }
0x34: {  	[timem:s3], [sflag:s2] =	dma.local @!p0 [hbm:s0], s1  }
0x35: {  	s0 =	simm.s32 @!p0 $0x1  }
0x36: {  	_ =	swait.ge @!p0 [sflag:s0], s1  }
0x37: {  	s1 =	ssub.s32 @!p0 $0x0, s1;
	[sflag:s0] =	ssyncset.done @!p0 $0x0  }
0x38: {  	[sflag:s0] =	ssyncadd.s32 @!p0 s1  }
0x39: {  	[bflag:$0x3] =	sbarrier.arrive $0xFFFF  }
0x3a: {  	_ =	shalt  }

</sc_bundles>
